<compile_context>
chip_gen: v7x
topology: tpu7x:2x2x1
jax: 0.10.2.dev20260603
libtpu: 0.0.44.dev20260713+nightly
codegen_flags: <defaults>
</compile_context>

<pallas_src>
import functools

import jax
import jax.numpy as jnp
from jax import lax
from jax.experimental import pallas as pl
from jax.experimental.pallas import tpu as pltpu
from jax.experimental.pallas import tpu_sc as plsc

VOCAB = 100000
EMBED = 128
MAXLEN = 200
BATCH = 1024
SEQ = 200

_INFO = plsc.get_sparse_core_info()
_NC = _INFO.num_cores
_NS = _INFO.num_subcores
_NW = _NC * _NS
_ROWS = BATCH * SEQ
_RPW = _ROWS // _NW
_CHUNK = 80
_NCHUNK = _RPW // _CHUNK
_NB = 5
_LANES = 16
_VECS = EMBED // _LANES


def _embed_kernel(x_hbm, wt_hbm, pos_hbm, out_hbm,
                  idx_v, buf0, buf1, buf2, buf3, buf4, pos2_v,
                  gsem0, gsem1, gsem2, gsem3, gsem4,
                  ssem0, ssem1, ssem2, ssem3, ssem4):
    wid = lax.axis_index("s") * _NC + lax.axis_index("c")
    base = wid * _RPW
    bufs = (buf0, buf1, buf2, buf3, buf4)
    gsems = (gsem0, gsem1, gsem2, gsem3, gsem4)
    ssems = (ssem0, ssem1, ssem2, ssem3, ssem4)

    pltpu.sync_copy(x_hbm.at[pl.ds(base, _RPW)], idx_v)

    def gather(c, b):
        return pltpu.make_async_copy(
            wt_hbm.at[idx_v.at[pl.ds(c * _CHUNK, _CHUNK)]], bufs[b], gsems[b])

    def store(c, b):
        return pltpu.make_async_copy(
            bufs[b], out_hbm.at[pl.ds(base + c * _CHUNK, _CHUNK)], ssems[b])

    def add_pos(c, b):
        p0 = lax.rem(c * _CHUNK, SEQ)
        buf = bufs[b]

        @plsc.parallel_loop(0, _CHUNK, step=1, unroll=8)
        def _(i):
            for k in range(_VECS):
                v = pos2_v[p0 + i, pl.ds(k * _LANES, _LANES)]
                plsc.addupdate(buf.at[i, pl.ds(k * _LANES, _LANES)], v)

    for c in range(_NB - 1):
        gather(c, c).start()
    pltpu.sync_copy(pos_hbm, pos2_v.at[pl.ds(0, MAXLEN)])
    pltpu.sync_copy(pos_hbm, pos2_v.at[pl.ds(MAXLEN, MAXLEN)])

    def ring_body(g4, carry):
        g = g4 * _NB
        for b in range(_NB):
            c = g + b
            gather(c, b).wait()
            add_pos(c, b)
            store(c, b).start()

            @pl.when(c >= 1)
            def _():
                store(c - 1, (b + _NB - 1) % _NB).wait()

            @pl.when(c + _NB - 1 < _NCHUNK)
            def _():
                gather(c + _NB - 1, (b + _NB - 1) % _NB).start()
        return carry

    lax.fori_loop(0, _NCHUNK // _NB, ring_body, 0, unroll=False)

    store(_NCHUNK - 1, (_NCHUNK - 1) % _NB).wait()


@jax.jit
def _run(x_flat, word_table, pos_table):
    mesh = plsc.VectorSubcoreMesh(core_axis_name="c", subcore_axis_name="s")
    f = functools.partial(
        pl.kernel,
        mesh=mesh,
        out_type=jax.ShapeDtypeStruct((_ROWS, EMBED), jnp.float32),
        scratch_types=[
            pltpu.VMEM((_RPW,), jnp.int32),
            pltpu.VMEM((_CHUNK, EMBED), jnp.float32),
            pltpu.VMEM((_CHUNK, EMBED), jnp.float32),
            pltpu.VMEM((_CHUNK, EMBED), jnp.float32),
            pltpu.VMEM((_CHUNK, EMBED), jnp.float32),
            pltpu.VMEM((_CHUNK, EMBED), jnp.float32),
            pltpu.VMEM((2 * MAXLEN, EMBED), jnp.float32),
            pltpu.SemaphoreType.DMA,
            pltpu.SemaphoreType.DMA,
            pltpu.SemaphoreType.DMA,
            pltpu.SemaphoreType.DMA,
            pltpu.SemaphoreType.DMA,
            pltpu.SemaphoreType.DMA,
            pltpu.SemaphoreType.DMA,
            pltpu.SemaphoreType.DMA,
            pltpu.SemaphoreType.DMA,
            pltpu.SemaphoreType.DMA,
        ],
    )(_embed_kernel)
    return f(x_flat, word_table, pos_table)


def kernel(x, word_table, pos_table):
    x_flat = x.reshape(-1).astype(jnp.int32)
    out = _run(x_flat, word_table, pos_table)
    return out.reshape(BATCH, SEQ, EMBED)

# --- scband reference (transcript-rebuilt; emitter-appended) ---
"""Pipeline reference for scband-embedding-block-41085657154124 (READ-ONLY COPY).

The authoritative reference and input builder live on the scoring server;
editing this copy changes nothing except your own understanding.
"""

import jax, jax.numpy as jnp
import numpy as np

VOCAB = 100000
EMBED = 128
MAXLEN = 200
BATCH = 1024
SEQ = 200

def setup_inputs(seed: int = 0) -> dict:
    key = jax.random.key(seed)
    k1, k2, k3 = jax.random.split(key, 3)
    x = jax.random.randint(k1, (BATCH, SEQ), 0, VOCAB, dtype=jnp.int64 if jax.config.jax_enable_x64 else jnp.int32)
    word_table = jax.random.normal(k2, (VOCAB, EMBED), dtype=jnp.float32) * 0.02
    pos_table = jax.random.normal(k3, (MAXLEN, EMBED), dtype=jnp.float32) * 0.02
    return {"x": x, "word_table": word_table, "pos_table": pos_table}

def reference(x, word_table, pos_table):
    # word embedding lookup: gather rows of word_table
    word_emb = jnp.take(word_table, x, axis=0)  # [B, S, E]
    # positional embedding: positions 0..S-1 broadcast over batch
    N, seq_len = x.shape
    positions = jnp.arange(0, seq_len)
    pos_emb = jnp.take(pos_table, positions, axis=0)  # [S, E]
    pos_emb = jnp.broadcast_to(pos_emb[None, :, :], (N, seq_len, pos_emb.shape[-1]))
    # dropout with p=0.0 is identity in eval/deterministic setting
    out = word_emb + pos_emb
    return out

if __name__ == "__main__":
    import jax
    _d = setup_inputs()
    print(jax.jit(kernel)(*tuple(_d.values())))

</pallas_src>

<mosaic_0001>
#map = affine_map<(d0, d1) -> (0)>
#map1 = affine_map<(d0, d1) -> (0, 0)>
module attributes {stable_mosaic.version = 14 : i64} {
  func.func @_embed_kernel(%arg0: i32, %arg1: i32, %arg2: memref<204800xi32, #tpu.memory_space<hbm>>, %arg3: memref<100000x128xf32, #tpu.memory_space<hbm>>, %arg4: memref<200x128xf32, #tpu.memory_space<hbm>>, %arg5: memref<204800x128xf32, #tpu.memory_space<hbm>>, %arg6: memref<6400xi32, #tpu.memory_space<vmem>>, %arg7: memref<80x128xf32, #tpu.memory_space<vmem>>, %arg8: memref<80x128xf32, #tpu.memory_space<vmem>>, %arg9: memref<80x128xf32, #tpu.memory_space<vmem>>, %arg10: memref<80x128xf32, #tpu.memory_space<vmem>>, %arg11: memref<80x128xf32, #tpu.memory_space<vmem>>, %arg12: memref<400x128xf32, #tpu.memory_space<vmem>>, %arg13: memref<!tpu.dma_semaphore, #tpu.memory_space<semaphore_mem>>, %arg14: memref<!tpu.dma_semaphore, #tpu.memory_space<semaphore_mem>>, %arg15: memref<!tpu.dma_semaphore, #tpu.memory_space<semaphore_mem>>, %arg16: memref<!tpu.dma_semaphore, #tpu.memory_space<semaphore_mem>>, %arg17: memref<!tpu.dma_semaphore, #tpu.memory_space<semaphore_mem>>, %arg18: memref<!tpu.dma_semaphore, #tpu.memory_space<semaphore_mem>>, %arg19: memref<!tpu.dma_semaphore, #tpu.memory_space<semaphore_mem>>, %arg20: memref<!tpu.dma_semaphore, #tpu.memory_space<semaphore_mem>>, %arg21: memref<!tpu.dma_semaphore, #tpu.memory_space<semaphore_mem>>, %arg22: memref<!tpu.dma_semaphore, #tpu.memory_space<semaphore_mem>>) attributes {dimension_semantics = [#tpu.dimension_semantics<core_parallel>, #tpu.dimension_semantics<subcore_parallel>], iteration_bounds = array<i64: 2, 16>, scalar_prefetch = 0 : i64, scratch_operands = 17 : i64, tpu.core_type = #tpu.core_type<sc_vector_subcore>, window_params = [{transform_indices = #map}, {transform_indices = #map1}, {transform_indices = #map1}, {transform_indices = #map1}]} {
    %mul3A = arith.constant 2 : i32
    %mul3A_0 = arith.muli %arg1, %mul3A : i32
    %add3A = arith.addi %mul3A_0, %arg0 : i32
    %mul3A_1 = arith.constant 6400 : i32
    %mul3A_2 = arith.muli %add3A, %mul3A_1 : i32
    "tpu.region"() ({
      %run_scoped3A = tpu.sem_alloc : memref<!tpu.dma_semaphore, #tpu.memory_space<semaphore_mem>>
      %dma_start3A_32 = tpu.memref_slice %arg2[%mul3A_2] : memref<204800xi32, #tpu.memory_space<hbm>> -> memref<6400xi32, #tpu.memory_space<hbm>>
      %dma_start3A_33 = tpu.memref_slice %arg2[%mul3A_2] : memref<204800xi32, #tpu.memory_space<hbm>> -> memref<6400xi32, #tpu.memory_space<hbm>>
      tpu.enqueue_dma source(%dma_start3A_33 : memref<6400xi32, #tpu.memory_space<hbm>>) target(%arg6 : memref<6400xi32, #tpu.memory_space<vmem>>) target_semaphore(%run_scoped3A : memref<!tpu.dma_semaphore, #tpu.memory_space<semaphore_mem>>)
      %dma_wait3A_34 = tpu.memref_slice %arg2[%mul3A_2] : memref<204800xi32, #tpu.memory_space<hbm>> -> memref<6400xi32, #tpu.memory_space<hbm>>
      %dma_wait3A_35 = tpu.memref_slice %arg2[%mul3A_2] : memref<204800xi32, #tpu.memory_space<hbm>> -> memref<6400xi32, #tpu.memory_space<hbm>>
      tpu.wait_dma2 semaphore(%run_scoped3A : memref<!tpu.dma_semaphore, #tpu.memory_space<semaphore_mem>>) src(%dma_wait3A_35 : memref<6400xi32, #tpu.memory_space<hbm>>) dst(%arg6 : memref<6400xi32, #tpu.memory_space<vmem>>)
      tpu.yield
    }) : () -> ()
    %dma_start3A = arith.constant 0 : i32
    %dma_start3A_3 = tpu.memref_slice %arg6[%dma_start3A] : memref<6400xi32, #tpu.memory_space<vmem>> -> memref<80xi32, #tpu.memory_space<vmem>>
    %dma_start3A_4 = arith.constant 0 : i32
    %dma_start3A_5 = arith.constant 0 : i32
    %dma_start3A_6 = tpu.memref_slice %arg3[%dma_start3A_4, %dma_start3A_5] : memref<100000x128xf32, #tpu.memory_space<hbm>> -> memref<100000x128xf32, #tpu.memory_space<hbm>>
    tpu.enqueue_indirect_dma source(%dma_start3A_6 : memref<100000x128xf32, #tpu.memory_space<hbm>>) target(%arg7 : memref<80x128xf32, #tpu.memory_space<vmem>>) offsets(%dma_start3A_3 : memref<80xi32, #tpu.memory_space<vmem>>) semaphore(%arg13 : memref<!tpu.dma_semaphore, #tpu.memory_space<semaphore_mem>>)
    %dma_start3A_7 = arith.constant 80 : i32
    %dma_start3A_8 = tpu.memref_slice %arg6[%dma_start3A_7] : memref<6400xi32, #tpu.memory_space<vmem>> -> memref<80xi32, #tpu.memory_space<vmem>>
    %dma_start3A_9 = arith.constant 0 : i32
    %dma_start3A_10 = arith.constant 0 : i32
    %dma_start3A_11 = tpu.memref_slice %arg3[%dma_start3A_9, %dma_start3A_10] : memref<100000x128xf32, #tpu.memory_space<hbm>> -> memref<100000x128xf32, #tpu.memory_space<hbm>>
    tpu.enqueue_indirect_dma source(%dma_start3A_11 : memref<100000x128xf32, #tpu.memory_space<hbm>>) target(%arg8 : memref<80x128xf32, #tpu.memory_space<vmem>>) offsets(%dma_start3A_8 : memref<80xi32, #tpu.memory_space<vmem>>) semaphore(%arg14 : memref<!tpu.dma_semaphore, #tpu.memory_space<semaphore_mem>>)
    %dma_start3A_12 = arith.constant 160 : i32
    %dma_start3A_13 = tpu.memref_slice %arg6[%dma_start3A_12] : memref<6400xi32, #tpu.memory_space<vmem>> -> memref<80xi32, #tpu.memory_space<vmem>>
    %dma_start3A_14 = arith.constant 0 : i32
    %dma_start3A_15 = arith.constant 0 : i32
    %dma_start3A_16 = tpu.memref_slice %arg3[%dma_start3A_14, %dma_start3A_15] : memref<100000x128xf32, #tpu.memory_space<hbm>> -> memref<100000x128xf32, #tpu.memory_space<hbm>>
    tpu.enqueue_indirect_dma source(%dma_start3A_16 : memref<100000x128xf32, #tpu.memory_space<hbm>>) target(%arg9 : memref<80x128xf32, #tpu.memory_space<vmem>>) offsets(%dma_start3A_13 : memref<80xi32, #tpu.memory_space<vmem>>) semaphore(%arg15 : memref<!tpu.dma_semaphore, #tpu.memory_space<semaphore_mem>>)
    %dma_start3A_17 = arith.constant 240 : i32
    %dma_start3A_18 = tpu.memref_slice %arg6[%dma_start3A_17] : memref<6400xi32, #tpu.memory_space<vmem>> -> memref<80xi32, #tpu.memory_space<vmem>>
    %dma_start3A_19 = arith.constant 0 : i32
    %dma_start3A_20 = arith.constant 0 : i32
    %dma_start3A_21 = tpu.memref_slice %arg3[%dma_start3A_19, %dma_start3A_20] : memref<100000x128xf32, #tpu.memory_space<hbm>> -> memref<100000x128xf32, #tpu.memory_space<hbm>>
    tpu.enqueue_indirect_dma source(%dma_start3A_21 : memref<100000x128xf32, #tpu.memory_space<hbm>>) target(%arg10 : memref<80x128xf32, #tpu.memory_space<vmem>>) offsets(%dma_start3A_18 : memref<80xi32, #tpu.memory_space<vmem>>) semaphore(%arg16 : memref<!tpu.dma_semaphore, #tpu.memory_space<semaphore_mem>>)
    "tpu.region"() ({
      %run_scoped3A = tpu.sem_alloc : memref<!tpu.dma_semaphore, #tpu.memory_space<semaphore_mem>>
      %dma_start3A_32 = arith.constant 0 : i32
      %dma_start3A_33 = arith.constant 0 : i32
      %dma_start3A_34 = tpu.memref_slice %arg12[%dma_start3A_32, %dma_start3A_33] : memref<400x128xf32, #tpu.memory_space<vmem>> -> memref<200x128xf32, #tpu.memory_space<vmem>>
      %dma_start3A_35 = arith.constant 0 : i32
      %dma_start3A_36 = arith.constant 0 : i32
      %dma_start3A_37 = tpu.memref_slice %arg12[%dma_start3A_35, %dma_start3A_36] : memref<400x128xf32, #tpu.memory_space<vmem>> -> memref<200x128xf32, #tpu.memory_space<vmem>>
      tpu.enqueue_dma source(%arg4 : memref<200x128xf32, #tpu.memory_space<hbm>>) target(%dma_start3A_37 : memref<200x128xf32, #tpu.memory_space<vmem>>) target_semaphore(%run_scoped3A : memref<!tpu.dma_semaphore, #tpu.memory_space<semaphore_mem>>)
      %dma_wait3A_38 = arith.constant 0 : i32
      %dma_wait3A_39 = arith.constant 0 : i32
      %dma_wait3A_40 = tpu.memref_slice %arg12[%dma_wait3A_38, %dma_wait3A_39] : memref<400x128xf32, #tpu.memory_space<vmem>> -> memref<200x128xf32, #tpu.memory_space<vmem>>
      %dma_wait3A_41 = arith.constant 0 : i32
      %dma_wait3A_42 = arith.constant 0 : i32
      %dma_wait3A_43 = tpu.memref_slice %arg12[%dma_wait3A_41, %dma_wait3A_42] : memref<400x128xf32, #tpu.memory_space<vmem>> -> memref<200x128xf32, #tpu.memory_space<vmem>>
      tpu.wait_dma2 semaphore(%run_scoped3A : memref<!tpu.dma_semaphore, #tpu.memory_space<semaphore_mem>>) src(%arg4 : memref<200x128xf32, #tpu.memory_space<hbm>>) dst(%dma_wait3A_43 : memref<200x128xf32, #tpu.memory_space<vmem>>)
      tpu.yield
    }) : () -> ()
    "tpu.region"() ({
      %run_scoped3A = tpu.sem_alloc : memref<!tpu.dma_semaphore, #tpu.memory_space<semaphore_mem>>
      %dma_start3A_32 = arith.constant 200 : i32
      %dma_start3A_33 = arith.constant 0 : i32
      %dma_start3A_34 = tpu.memref_slice %arg12[%dma_start3A_32, %dma_start3A_33] : memref<400x128xf32, #tpu.memory_space<vmem>> -> memref<200x128xf32, #tpu.memory_space<vmem>>
      %dma_start3A_35 = arith.constant 200 : i32
      %dma_start3A_36 = arith.constant 0 : i32
      %dma_start3A_37 = tpu.memref_slice %arg12[%dma_start3A_35, %dma_start3A_36] : memref<400x128xf32, #tpu.memory_space<vmem>> -> memref<200x128xf32, #tpu.memory_space<vmem>>
      tpu.enqueue_dma source(%arg4 : memref<200x128xf32, #tpu.memory_space<hbm>>) target(%dma_start3A_37 : memref<200x128xf32, #tpu.memory_space<vmem>>) target_semaphore(%run_scoped3A : memref<!tpu.dma_semaphore, #tpu.memory_space<semaphore_mem>>)
      %dma_wait3A_38 = arith.constant 200 : i32
      %dma_wait3A_39 = arith.constant 0 : i32
      %dma_wait3A_40 = tpu.memref_slice %arg12[%dma_wait3A_38, %dma_wait3A_39] : memref<400x128xf32, #tpu.memory_space<vmem>> -> memref<200x128xf32, #tpu.memory_space<vmem>>
      %dma_wait3A_41 = arith.constant 200 : i32
      %dma_wait3A_42 = arith.constant 0 : i32
      %dma_wait3A_43 = tpu.memref_slice %arg12[%dma_wait3A_41, %dma_wait3A_42] : memref<400x128xf32, #tpu.memory_space<vmem>> -> memref<200x128xf32, #tpu.memory_space<vmem>>
      tpu.wait_dma2 semaphore(%run_scoped3A : memref<!tpu.dma_semaphore, #tpu.memory_space<semaphore_mem>>) src(%arg4 : memref<200x128xf32, #tpu.memory_space<hbm>>) dst(%dma_wait3A_43 : memref<200x128xf32, #tpu.memory_space<vmem>>)
      tpu.yield
    }) : () -> ()
    %scan3A = arith.constant 0 : i32
    %scan3A_22 = arith.constant 0 : i32
    %scan3A_23 = arith.constant 16 : i32
    %scan3A_24 = arith.addi %scan3A_22, %scan3A_23 : i32
    %scan3A_25 = arith.constant 1 : i32
    scf.for %scan3A_32 = %scan3A_22 to %scan3A_24 step %scan3A_25  : i32 {
      %mul3A_33 = arith.constant 5 : i32
      %mul3A_34 = arith.muli %scan3A_32, %mul3A_33 : i32
      %add3A_35 = arith.constant 0 : i32
      %add3A_36 = arith.addi %mul3A_34, %add3A_35 : i32
      %mul3A_37 = arith.constant 80 : i32
      %mul3A_38 = arith.muli %add3A_36, %mul3A_37 : i32
      %dma_wait3A_39 = tpu.memref_slice %arg6[%mul3A_38] : memref<6400xi32, #tpu.memory_space<vmem>> -> memref<80xi32, #tpu.memory_space<vmem>>
      %dma_wait3A_40 = arith.constant 0 : i32
      %dma_wait3A_41 = arith.constant 0 : i32
      %dma_wait3A_42 = tpu.memref_slice %arg3[%dma_wait3A_40, %dma_wait3A_41] : memref<100000x128xf32, #tpu.memory_space<hbm>> -> memref<100000x128xf32, #tpu.memory_space<hbm>>
      tpu.wait_indirect_dma semaphore(%arg13 : memref<!tpu.dma_semaphore, #tpu.memory_space<semaphore_mem>>) src(%dma_wait3A_42 : memref<100000x128xf32, #tpu.memory_space<hbm>>) dst(%arg7 : memref<80x128xf32, #tpu.memory_space<vmem>>)
      %mul3A_43 = arith.constant 80 : i32
      %mul3A_44 = arith.muli %add3A_36, %mul3A_43 : i32
      %rem3A = arith.constant 200 : i32
      %rem3A_45 = arith.remsi %mul3A_44, %rem3A : i32
      %parallel_loop3A = arith.constant 0 : i32
      %parallel_loop3A_46 = arith.constant 80 : i32
      %parallel_loop3A_47 = arith.constant 1 : i32
      scf.for %parallel_loop3A_208 = %parallel_loop3A to %parallel_loop3A_46 step %parallel_loop3A_47  : i32 {
        %parallel_loop3A_209 = arith.addi %rem3A_45, %parallel_loop3A_208 : i32
        %parallel_loop3A_210 = arith.index_cast %parallel_loop3A_209 : i32 to index
        %parallel_loop3A_211 = arith.constant 0 : index
        %parallel_loop3A_212 = tpu.vector_load %arg12[%parallel_loop3A_210, %parallel_loop3A_211] {strides = array<i32>} : memref<400x128xf32, #tpu.memory_space<vmem>>, vector<1x16xf32>,
        %parallel_loop3A_213 = vector.shape_cast %parallel_loop3A_212 : vector<1x16xf32> to vector<16xf32>
        %parallel_loop3A_214 = arith.index_cast %parallel_loop3A_208 : i32 to index
        %parallel_loop3A_215 = arith.constant 0 : index
        %parallel_loop3A_216 = tpu.vector_load %arg7[%parallel_loop3A_214, %parallel_loop3A_215] {strides = array<i32>} : memref<80x128xf32, #tpu.memory_space<vmem>>, vector<1x16xf32>,
        %parallel_loop3A_217 = vector.shape_cast %parallel_loop3A_216 : vector<1x16xf32> to vector<16xf32>
        %parallel_loop3A_218 = vector.shape_cast %parallel_loop3A_213 : vector<16xf32> to vector<1x16xf32>
        tpu.vector_store %arg7[%parallel_loop3A_214, %parallel_loop3A_215], %parallel_loop3A_218 {add = true, strides = array<i32>} : memref<80x128xf32, #tpu.memory_space<vmem>>, vector<1x16xf32>,
        %parallel_loop3A_219 = arith.addi %rem3A_45, %parallel_loop3A_208 : i32
        %parallel_loop3A_220 = arith.index_cast %parallel_loop3A_219 : i32 to index
        %parallel_loop3A_221 = arith.constant 16 : index
        %parallel_loop3A_222 = tpu.vector_load %arg12[%parallel_loop3A_220, %parallel_loop3A_221] {strides = array<i32>} : memref<400x128xf32, #tpu.memory_space<vmem>>, vector<1x16xf32>,
        %parallel_loop3A_223 = vector.shape_cast %parallel_loop3A_222 : vector<1x16xf32> to vector<16xf32>
        %parallel_loop3A_224 = arith.index_cast %parallel_loop3A_208 : i32 to index
        %parallel_loop3A_225 = arith.constant 16 : index
        %parallel_loop3A_226 = tpu.vector_load %arg7[%parallel_loop3A_224, %parallel_loop3A_225] {strides = array<i32>} : memref<80x128xf32, #tpu.memory_space<vmem>>, vector<1x16xf32>,
        %parallel_loop3A_227 = vector.shape_cast %parallel_loop3A_226 : vector<1x16xf32> to vector<16xf32>
        %parallel_loop3A_228 = vector.shape_cast %parallel_loop3A_223 : vector<16xf32> to vector<1x16xf32>
        tpu.vector_store %arg7[%parallel_loop3A_224, %parallel_loop3A_225], %parallel_loop3A_228 {add = true, strides = array<i32>} : memref<80x128xf32, #tpu.memory_space<vmem>>, vector<1x16xf32>,
        %parallel_loop3A_229 = arith.addi %rem3A_45, %parallel_loop3A_208 : i32
        %parallel_loop3A_230 = arith.index_cast %parallel_loop3A_229 : i32 to index
        %parallel_loop3A_231 = arith.constant 32 : index
        %parallel_loop3A_232 = tpu.vector_load %arg12[%parallel_loop3A_230, %parallel_loop3A_231] {strides = array<i32>} : memref<400x128xf32, #tpu.memory_space<vmem>>, vector<1x16xf32>,
        %parallel_loop3A_233 = vector.shape_cast %parallel_loop3A_232 : vector<1x16xf32> to vector<16xf32>
        %parallel_loop3A_234 = arith.index_cast %parallel_loop3A_208 : i32 to index
        %parallel_loop3A_235 = arith.constant 32 : index
        %parallel_loop3A_236 = tpu.vector_load %arg7[%parallel_loop3A_234, %parallel_loop3A_235] {strides = array<i32>} : memref<80x128xf32, #tpu.memory_space<vmem>>, vector<1x16xf32>,
        %parallel_loop3A_237 = vector.shape_cast %parallel_loop3A_236 : vector<1x16xf32> to vector<16xf32>
        %parallel_loop3A_238 = vector.shape_cast %parallel_loop3A_233 : vector<16xf32> to vector<1x16xf32>
        tpu.vector_store %arg7[%parallel_loop3A_234, %parallel_loop3A_235], %parallel_loop3A_238 {add = true, strides = array<i32>} : memref<80x128xf32, #tpu.memory_space<vmem>>, vector<1x16xf32>,
        %parallel_loop3A_239 = arith.addi %rem3A_45, %parallel_loop3A_208 : i32
        %parallel_loop3A_240 = arith.index_cast %parallel_loop3A_239 : i32 to index
        %parallel_loop3A_241 = arith.constant 48 : index
        %parallel_loop3A_242 = tpu.vector_load %arg12[%parallel_loop3A_240, %parallel_loop3A_241] {strides = array<i32>} : memref<400x128xf32, #tpu.memory_space<vmem>>, vector<1x16xf32>,
        %parallel_loop3A_243 = vector.shape_cast %parallel_loop3A_242 : vector<1x16xf32> to vector<16xf32>
        %parallel_loop3A_244 = arith.index_cast %parallel_loop3A_208 : i32 to index
        %parallel_loop3A_245 = arith.constant 48 : index
        %parallel_loop3A_246 = tpu.vector_load %arg7[%parallel_loop3A_244, %parallel_loop3A_245] {strides = array<i32>} : memref<80x128xf32, #tpu.memory_space<vmem>>, vector<1x16xf32>,
        %parallel_loop3A_247 = vector.shape_cast %parallel_loop3A_246 : vector<1x16xf32> to vector<16xf32>
        %parallel_loop3A_248 = vector.shape_cast %parallel_loop3A_243 : vector<16xf32> to vector<1x16xf32>
        tpu.vector_store %arg7[%parallel_loop3A_244, %parallel_loop3A_245], %parallel_loop3A_248 {add = true, strides = array<i32>} : memref<80x128xf32, #tpu.memory_space<vmem>>, vector<1x16xf32>,
        %parallel_loop3A_249 = arith.addi %rem3A_45, %parallel_loop3A_208 : i32
        %parallel_loop3A_250 = arith.index_cast %parallel_loop3A_249 : i32 to index
        %parallel_loop3A_251 = arith.constant 64 : index
        %parallel_loop3A_252 = tpu.vector_load %arg12[%parallel_loop3A_250, %parallel_loop3A_251] {strides = array<i32>} : memref<400x128xf32, #tpu.memory_space<vmem>>, vector<1x16xf32>,
        %parallel_loop3A_253 = vector.shape_cast %parallel_loop3A_252 : vector<1x16xf32> to vector<16xf32>
        %parallel_loop3A_254 = arith.index_cast %parallel_loop3A_208 : i32 to index
        %parallel_loop3A_255 = arith.constant 64 : index
        %parallel_loop3A_256 = tpu.vector_load %arg7[%parallel_loop3A_254, %parallel_loop3A_255] {strides = array<i32>} : memref<80x128xf32, #tpu.memory_space<vmem>>, vector<1x16xf32>,
        %parallel_loop3A_257 = vector.shape_cast %parallel_loop3A_256 : vector<1x16xf32> to vector<16xf32>
        %parallel_loop3A_258 = vector.shape_cast %parallel_loop3A_253 : vector<16xf32> to vector<1x16xf32>
        tpu.vector_store %arg7[%parallel_loop3A_254, %parallel_loop3A_255], %parallel_loop3A_258 {add = true, strides = array<i32>} : memref<80x128xf32, #tpu.memory_space<vmem>>, vector<1x16xf32>,
        %parallel_loop3A_259 = arith.addi %rem3A_45, %parallel_loop3A_208 : i32
        %parallel_loop3A_260 = arith.index_cast %parallel_loop3A_259 : i32 to index
        %parallel_loop3A_261 = arith.constant 80 : index
        %parallel_loop3A_262 = tpu.vector_load %arg12[%parallel_loop3A_260, %parallel_loop3A_261] {strides = array<i32>} : memref<400x128xf32, #tpu.memory_space<vmem>>, vector<1x16xf32>,
        %parallel_loop3A_263 = vector.shape_cast %parallel_loop3A_262 : vector<1x16xf32> to vector<16xf32>
        %parallel_loop3A_264 = arith.index_cast %parallel_loop3A_208 : i32 to index
        %parallel_loop3A_265 = arith.constant 80 : index
        %parallel_loop3A_266 = tpu.vector_load %arg7[%parallel_loop3A_264, %parallel_loop3A_265] {strides = array<i32>} : memref<80x128xf32, #tpu.memory_space<vmem>>, vector<1x16xf32>,
        %parallel_loop3A_267 = vector.shape_cast %parallel_loop3A_266 : vector<1x16xf32> to vector<16xf32>
        %parallel_loop3A_268 = vector.shape_cast %parallel_loop3A_263 : vector<16xf32> to vector<1x16xf32>
        tpu.vector_store %arg7[%parallel_loop3A_264, %parallel_loop3A_265], %parallel_loop3A_268 {add = true, strides = array<i32>} : memref<80x128xf32, #tpu.memory_space<vmem>>, vector<1x16xf32>,
        %parallel_loop3A_269 = arith.addi %rem3A_45, %parallel_loop3A_208 : i32
        %parallel_loop3A_270 = arith.index_cast %parallel_loop3A_269 : i32 to index
        %parallel_loop3A_271 = arith.constant 96 : index
        %parallel_loop3A_272 = tpu.vector_load %arg12[%parallel_loop3A_270, %parallel_loop3A_271] {strides = array<i32>} : memref<400x128xf32, #tpu.memory_space<vmem>>, vector<1x16xf32>,
        %parallel_loop3A_273 = vector.shape_cast %parallel_loop3A_272 : vector<1x16xf32> to vector<16xf32>
        %parallel_loop3A_274 = arith.index_cast %parallel_loop3A_208 : i32 to index
        %parallel_loop3A_275 = arith.constant 96 : index
        %parallel_loop3A_276 = tpu.vector_load %arg7[%parallel_loop3A_274, %parallel_loop3A_275] {strides = array<i32>} : memref<80x128xf32, #tpu.memory_space<vmem>>, vector<1x16xf32>,
        %parallel_loop3A_277 = vector.shape_cast %parallel_loop3A_276 : vector<1x16xf32> to vector<16xf32>
        %parallel_loop3A_278 = vector.shape_cast %parallel_loop3A_273 : vector<16xf32> to vector<1x16xf32>
        tpu.vector_store %arg7[%parallel_loop3A_274, %parallel_loop3A_275], %parallel_loop3A_278 {add = true, strides = array<i32>} : memref<80x128xf32, #tpu.memory_space<vmem>>, vector<1x16xf32>,
        %parallel_loop3A_279 = arith.addi %rem3A_45, %parallel_loop3A_208 : i32
        %parallel_loop3A_280 = arith.index_cast %parallel_loop3A_279 : i32 to index
        %parallel_loop3A_281 = arith.constant 112 : index
        %parallel_loop3A_282 = tpu.vector_load %arg12[%parallel_loop3A_280, %parallel_loop3A_281] {strides = array<i32>} : memref<400x128xf32, #tpu.memory_space<vmem>>, vector<1x16xf32>,
        %parallel_loop3A_283 = vector.shape_cast %parallel_loop3A_282 : vector<1x16xf32> to vector<16xf32>
        %parallel_loop3A_284 = arith.index_cast %parallel_loop3A_208 : i32 to index
        %parallel_loop3A_285 = arith.constant 112 : index
        %parallel_loop3A_286 = tpu.vector_load %arg7[%parallel_loop3A_284, %parallel_loop3A_285] {strides = array<i32>} : memref<80x128xf32, #tpu.memory_space<vmem>>, vector<1x16xf32>,
        %parallel_loop3A_287 = vector.shape_cast %parallel_loop3A_286 : vector<1x16xf32> to vector<16xf32>
        %parallel_loop3A_288 = vector.shape_cast %parallel_loop3A_283 : vector<16xf32> to vector<1x16xf32>
        tpu.vector_store %arg7[%parallel_loop3A_284, %parallel_loop3A_285], %parallel_loop3A_288 {add = true, strides = array<i32>} : memref<80x128xf32, #tpu.memory_space<vmem>>, vector<1x16xf32>,
      } {sc.loop_unroll_factor = 8 : i64, sc.parallel_access}
      %mul3A_48 = arith.constant 80 : i32
      %mul3A_49 = arith.muli %add3A_36, %mul3A_48 : i32
      %add3A_50 = arith.addi %mul3A_2, %mul3A_49 : i32
      %dma_start3A_51 = arith.constant 0 : i32
      %dma_start3A_52 = tpu.memref_slice %arg5[%add3A_50, %dma_start3A_51] : memref<204800x128xf32, #tpu.memory_space<hbm>> -> memref<80x128xf32, #tpu.memory_space<hbm>>
      %dma_start3A_53 = arith.constant 0 : i32
      %dma_start3A_54 = tpu.memref_slice %arg5[%add3A_50, %dma_start3A_53] : memref<204800x128xf32, #tpu.memory_space<hbm>> -> memref<80x128xf32, #tpu.memory_space<hbm>>
      tpu.enqueue_dma source(%arg7 : memref<80x128xf32, #tpu.memory_space<vmem>>) target(%dma_start3A_54 : memref<80x128xf32, #tpu.memory_space<hbm>>) target_semaphore(%arg18 : memref<!tpu.dma_semaphore, #tpu.memory_space<semaphore_mem>>)
      %ge3A = arith.constant 1 : i32
      %ge3A_55 = arith.cmpi sge, %add3A_36, %ge3A : i32
      %convert_element_type3A = arith.extui %ge3A_55 : i1 to i32
      %cond3A = arith.constant 0 : i32
      %cond3A_56 = arith.cmpi ne, %convert_element_type3A, %cond3A : i32
      scf.if %cond3A_56 {
        %sub3A_208 = arith.constant 1 : i32
        %sub3A_209 = arith.subi %add3A_36, %sub3A_208 : i32
        %mul3A_210 = arith.constant 80 : i32
        %mul3A_211 = arith.muli %sub3A_209, %mul3A_210 : i32
        %add3A_212 = arith.addi %mul3A_2, %mul3A_211 : i32
        %dma_wait3A_213 = arith.constant 0 : i32
        %dma_wait3A_214 = tpu.memref_slice %arg5[%add3A_212, %dma_wait3A_213] : memref<204800x128xf32, #tpu.memory_space<hbm>> -> memref<80x128xf32, #tpu.memory_space<hbm>>
        %dma_wait3A_215 = arith.constant 0 : i32
        %dma_wait3A_216 = tpu.memref_slice %arg5[%add3A_212, %dma_wait3A_215] : memref<204800x128xf32, #tpu.memory_space<hbm>> -> memref<80x128xf32, #tpu.memory_space<hbm>>
        tpu.wait_dma2 semaphore(%arg22 : memref<!tpu.dma_semaphore, #tpu.memory_space<semaphore_mem>>) src(%arg11 : memref<80x128xf32, #tpu.memory_space<vmem>>) dst(%dma_wait3A_216 : memref<80x128xf32, #tpu.memory_space<hbm>>)
      } else {
      }
      %add3A_57 = arith.constant 5 : i32
      %add3A_58 = arith.addi %add3A_36, %add3A_57 : i32
      %sub3A = arith.constant 1 : i32
      %sub3A_59 = arith.subi %add3A_58, %sub3A : i32
      %lt3A = arith.constant 80 : i32
      %lt3A_60 = arith.cmpi slt, %sub3A_59, %lt3A : i32
      %convert_element_type3A_61 = arith.extui %lt3A_60 : i1 to i32
      %cond3A_62 = arith.constant 0 : i32
      %cond3A_63 = arith.cmpi ne, %convert_element_type3A_61, %cond3A_62 : i32
      scf.if %cond3A_63 {
        %add3A_208 = arith.constant 5 : i32
        %add3A_209 = arith.addi %add3A_36, %add3A_208 : i32
        %sub3A_210 = arith.constant 1 : i32
        %sub3A_211 = arith.subi %add3A_209, %sub3A_210 : i32
        %mul3A_212 = arith.constant 80 : i32
        %mul3A_213 = arith.muli %sub3A_211, %mul3A_212 : i32
        %dma_start3A_214 = tpu.memref_slice %arg6[%mul3A_213] : memref<6400xi32, #tpu.memory_space<vmem>> -> memref<80xi32, #tpu.memory_space<vmem>>
        %dma_start3A_215 = arith.constant 0 : i32
        %dma_start3A_216 = arith.constant 0 : i32
        %dma_start3A_217 = tpu.memref_slice %arg3[%dma_start3A_215, %dma_start3A_216] : memref<100000x128xf32, #tpu.memory_space<hbm>> -> memref<100000x128xf32, #tpu.memory_space<hbm>>
        tpu.enqueue_indirect_dma source(%dma_start3A_217 : memref<100000x128xf32, #tpu.memory_space<hbm>>) target(%arg11 : memref<80x128xf32, #tpu.memory_space<vmem>>) offsets(%dma_start3A_214 : memref<80xi32, #tpu.memory_space<vmem>>) semaphore(%arg17 : memref<!tpu.dma_semaphore, #tpu.memory_space<semaphore_mem>>)
      } else {
      }
      %add3A_64 = arith.constant 1 : i32
      %add3A_65 = arith.addi %mul3A_34, %add3A_64 : i32
      %mul3A_66 = arith.constant 80 : i32
      %mul3A_67 = arith.muli %add3A_65, %mul3A_66 : i32
      %dma_wait3A_68 = tpu.memref_slice %arg6[%mul3A_67] : memref<6400xi32, #tpu.memory_space<vmem>> -> memref<80xi32, #tpu.memory_space<vmem>>
      %dma_wait3A_69 = arith.constant 0 : i32
      %dma_wait3A_70 = arith.constant 0 : i32
      %dma_wait3A_71 = tpu.memref_slice %arg3[%dma_wait3A_69, %dma_wait3A_70] : memref<100000x128xf32, #tpu.memory_space<hbm>> -> memref<100000x128xf32, #tpu.memory_space<hbm>>
      tpu.wait_indirect_dma semaphore(%arg14 : memref<!tpu.dma_semaphore, #tpu.memory_space<semaphore_mem>>) src(%dma_wait3A_71 : memref<100000x128xf32, #tpu.memory_space<hbm>>) dst(%arg8 : memref<80x128xf32, #tpu.memory_space<vmem>>)
      %mul3A_72 = arith.constant 80 : i32
      %mul3A_73 = arith.muli %add3A_65, %mul3A_72 : i32
      %rem3A_74 = arith.constant 200 : i32
      %rem3A_75 = arith.remsi %mul3A_73, %rem3A_74 : i32
      %parallel_loop3A_76 = arith.constant 0 : i32
      %parallel_loop3A_77 = arith.constant 80 : i32
      %parallel_loop3A_78 = arith.constant 1 : i32
      scf.for %parallel_loop3A_208 = %parallel_loop3A_76 to %parallel_loop3A_77 step %parallel_loop3A_78  : i32 {
        %parallel_loop3A_209 = arith.addi %rem3A_75, %parallel_loop3A_208 : i32
        %parallel_loop3A_210 = arith.index_cast %parallel_loop3A_209 : i32 to index
        %parallel_loop3A_211 = arith.constant 0 : index
        %parallel_loop3A_212 = tpu.vector_load %arg12[%parallel_loop3A_210, %parallel_loop3A_211] {strides = array<i32>} : memref<400x128xf32, #tpu.memory_space<vmem>>, vector<1x16xf32>,
        %parallel_loop3A_213 = vector.shape_cast %parallel_loop3A_212 : vector<1x16xf32> to vector<16xf32>
        %parallel_loop3A_214 = arith.index_cast %parallel_loop3A_208 : i32 to index
        %parallel_loop3A_215 = arith.constant 0 : index
        %parallel_loop3A_216 = tpu.vector_load %arg8[%parallel_loop3A_214, %parallel_loop3A_215] {strides = array<i32>} : memref<80x128xf32, #tpu.memory_space<vmem>>, vector<1x16xf32>,
        %parallel_loop3A_217 = vector.shape_cast %parallel_loop3A_216 : vector<1x16xf32> to vector<16xf32>
        %parallel_loop3A_218 = vector.shape_cast %parallel_loop3A_213 : vector<16xf32> to vector<1x16xf32>
        tpu.vector_store %arg8[%parallel_loop3A_214, %parallel_loop3A_215], %parallel_loop3A_218 {add = true, strides = array<i32>} : memref<80x128xf32, #tpu.memory_space<vmem>>, vector<1x16xf32>,
        %parallel_loop3A_219 = arith.addi %rem3A_75, %parallel_loop3A_208 : i32
        %parallel_loop3A_220 = arith.index_cast %parallel_loop3A_219 : i32 to index
        %parallel_loop3A_221 = arith.constant 16 : index
        %parallel_loop3A_222 = tpu.vector_load %arg12[%parallel_loop3A_220, %parallel_loop3A_221] {strides = array<i32>} : memref<400x128xf32, #tpu.memory_space<vmem>>, vector<1x16xf32>,
        %parallel_loop3A_223 = vector.shape_cast %parallel_loop3A_222 : vector<1x16xf32> to vector<16xf32>
        %parallel_loop3A_224 = arith.index_cast %parallel_loop3A_208 : i32 to index
        %parallel_loop3A_225 = arith.constant 16 : index
        %parallel_loop3A_226 = tpu.vector_load %arg8[%parallel_loop3A_224, %parallel_loop3A_225] {strides = array<i32>} : memref<80x128xf32, #tpu.memory_space<vmem>>, vector<1x16xf32>,
        %parallel_loop3A_227 = vector.shape_cast %parallel_loop3A_226 : vector<1x16xf32> to vector<16xf32>
        %parallel_loop3A_228 = vector.shape_cast %parallel_loop3A_223 : vector<16xf32> to vector<1x16xf32>
        tpu.vector_store %arg8[%parallel_loop3A_224, %parallel_loop3A_225], %parallel_loop3A_228 {add = true, strides = array<i32>} : memref<80x128xf32, #tpu.memory_space<vmem>>, vector<1x16xf32>,
        %parallel_loop3A_229 = arith.addi %rem3A_75, %parallel_loop3A_208 : i32
        %parallel_loop3A_230 = arith.index_cast %parallel_loop3A_229 : i32 to index
        %parallel_loop3A_231 = arith.constant 32 : index
        %parallel_loop3A_232 = tpu.vector_load %arg12[%parallel_loop3A_230, %parallel_loop3A_231] {strides = array<i32>} : memref<400x128xf32, #tpu.memory_space<vmem>>, vector<1x16xf32>,
        %parallel_loop3A_233 = vector.shape_cast %parallel_loop3A_232 : vector<1x16xf32> to vector<16xf32>
        %parallel_loop3A_234 = arith.index_cast %parallel_loop3A_208 : i32 to index
        %parallel_loop3A_235 = arith.constant 32 : index
        %parallel_loop3A_236 = tpu.vector_load %arg8[%parallel_loop3A_234, %parallel_loop3A_235] {strides = array<i32>} : memref<80x128xf32, #tpu.memory_space<vmem>>, vector<1x16xf32>,
        %parallel_loop3A_237 = vector.shape_cast %parallel_loop3A_236 : vector<1x16xf32> to vector<16xf32>
        %parallel_loop3A_238 = vector.shape_cast %parallel_loop3A_233 : vector<16xf32> to vector<1x16xf32>
        tpu.vector_store %arg8[%parallel_loop3A_234, %parallel_loop3A_235], %parallel_loop3A_238 {add = true, strides = array<i32>} : memref<80x128xf32, #tpu.memory_space<vmem>>, vector<1x16xf32>,
        %parallel_loop3A_239 = arith.addi %rem3A_75, %parallel_loop3A_208 : i32
        %parallel_loop3A_240 = arith.index_cast %parallel_loop3A_239 : i32 to index
        %parallel_loop3A_241 = arith.constant 48 : index
        %parallel_loop3A_242 = tpu.vector_load %arg12[%parallel_loop3A_240, %parallel_loop3A_241] {strides = array<i32>} : memref<400x128xf32, #tpu.memory_space<vmem>>, vector<1x16xf32>,
        %parallel_loop3A_243 = vector.shape_cast %parallel_loop3A_242 : vector<1x16xf32> to vector<16xf32>
        %parallel_loop3A_244 = arith.index_cast %parallel_loop3A_208 : i32 to index
        %parallel_loop3A_245 = arith.constant 48 : index
        %parallel_loop3A_246 = tpu.vector_load %arg8[%parallel_loop3A_244, %parallel_loop3A_245] {strides = array<i32>} : memref<80x128xf32, #tpu.memory_space<vmem>>, vector<1x16xf32>,
        %parallel_loop3A_247 = vector.shape_cast %parallel_loop3A_246 : vector<1x16xf32> to vector<16xf32>
        %parallel_loop3A_248 = vector.shape_cast %parallel_loop3A_243 : vector<16xf32> to vector<1x16xf32>
        tpu.vector_store %arg8[%parallel_loop3A_244, %parallel_loop3A_245], %parallel_loop3A_248 {add = true, strides = array<i32>} : memref<80x128xf32, #tpu.memory_space<vmem>>, vector<1x16xf32>,
        %parallel_loop3A_249 = arith.addi %rem3A_75, %parallel_loop3A_208 : i32
        %parallel_loop3A_250 = arith.index_cast %parallel_loop3A_249 : i32 to index
        %parallel_loop3A_251 = arith.constant 64 : index
        %parallel_loop3A_252 = tpu.vector_load %arg12[%parallel_loop3A_250, %parallel_loop3A_251] {strides = array<i32>} : memref<400x128xf32, #tpu.memory_space<vmem>>, vector<1x16xf32>,
        %parallel_loop3A_253 = vector.shape_cast %parallel_loop3A_252 : vector<1x16xf32> to vector<16xf32>
        %parallel_loop3A_254 = arith.index_cast %parallel_loop3A_208 : i32 to index
        %parallel_loop3A_255 = arith.constant 64 : index
        %parallel_loop3A_256 = tpu.vector_load %arg8[%parallel_loop3A_254, %parallel_loop3A_255] {strides = array<i32>} : memref<80x128xf32, #tpu.memory_space<vmem>>, vector<1x16xf32>,
        %parallel_loop3A_257 = vector.shape_cast %parallel_loop3A_256 : vector<1x16xf32> to vector<16xf32>
        %parallel_loop3A_258 = vector.shape_cast %parallel_loop3A_253 : vector<16xf32> to vector<1x16xf32>
        tpu.vector_store %arg8[%parallel_loop3A_254, %parallel_loop3A_255], %parallel_loop3A_258 {add = true, strides = array<i32>} : memref<80x128xf32, #tpu.memory_space<vmem>>, vector<1x16xf32>,
        %parallel_loop3A_259 = arith.addi %rem3A_75, %parallel_loop3A_208 : i32
        %parallel_loop3A_260 = arith.index_cast %parallel_loop3A_259 : i32 to index
        %parallel_loop3A_261 = arith.constant 80 : index
        %parallel_loop3A_262 = tpu.vector_load %arg12[%parallel_loop3A_260, %parallel_loop3A_261] {strides = array<i32>} : memref<400x128xf32, #tpu.memory_space<vmem>>, vector<1x16xf32>,
        %parallel_loop3A_263 = vector.shape_cast %parallel_loop3A_262 : vector<1x16xf32> to vector<16xf32>
        %parallel_loop3A_264 = arith.index_cast %parallel_loop3A_208 : i32 to index
        %parallel_loop3A_265 = arith.constant 80 : index
        %parallel_loop3A_266 = tpu.vector_load %arg8[%parallel_loop3A_264, %parallel_loop3A_265] {strides = array<i32>} : memref<80x128xf32, #tpu.memory_space<vmem>>, vector<1x16xf32>,
        %parallel_loop3A_267 = vector.shape_cast %parallel_loop3A_266 : vector<1x16xf32> to vector<16xf32>
        %parallel_loop3A_268 = vector.shape_cast %parallel_loop3A_263 : vector<16xf32> to vector<1x16xf32>
        tpu.vector_store %arg8[%parallel_loop3A_264, %parallel_loop3A_265], %parallel_loop3A_268 {add = true, strides = array<i32>} : memref<80x128xf32, #tpu.memory_space<vmem>>, vector<1x16xf32>,
        %parallel_loop3A_269 = arith.addi %rem3A_75, %parallel_loop3A_208 : i32
        %parallel_loop3A_270 = arith.index_cast %parallel_loop3A_269 : i32 to index
        %parallel_loop3A_271 = arith.constant 96 : index
        %parallel_loop3A_272 = tpu.vector_load %arg12[%parallel_loop3A_270, %parallel_loop3A_271] {strides = array<i32>} : memref<400x128xf32, #tpu.memory_space<vmem>>, vector<1x16xf32>,
        %parallel_loop3A_273 = vector.shape_cast %parallel_loop3A_272 : vector<1x16xf32> to vector<16xf32>
        %parallel_loop3A_274 = arith.index_cast %parallel_loop3A_208 : i32 to index
        %parallel_loop3A_275 = arith.constant 96 : index
        %parallel_loop3A_276 = tpu.vector_load %arg8[%parallel_loop3A_274, %parallel_loop3A_275] {strides = array<i32>} : memref<80x128xf32, #tpu.memory_space<vmem>>, vector<1x16xf32>,
        %parallel_loop3A_277 = vector.shape_cast %parallel_loop3A_276 : vector<1x16xf32> to vector<16xf32>
        %parallel_loop3A_278 = vector.shape_cast %parallel_loop3A_273 : vector<16xf32> to vector<1x16xf32>
        tpu.vector_store %arg8[%parallel_loop3A_274, %parallel_loop3A_275], %parallel_loop3A_278 {add = true, strides = array<i32>} : memref<80x128xf32, #tpu.memory_space<vmem>>, vector<1x16xf32>,
        %parallel_loop3A_279 = arith.addi %rem3A_75, %parallel_loop3A_208 : i32
        %parallel_loop3A_280 = arith.index_cast %parallel_loop3A_279 : i32 to index
        %parallel_loop3A_281 = arith.constant 112 : index
        %parallel_loop3A_282 = tpu.vector_load %arg12[%parallel_loop3A_280, %parallel_loop3A_281] {strides = array<i32>} : memref<400x128xf32, #tpu.memory_space<vmem>>, vector<1x16xf32>,
        %parallel_loop3A_283 = vector.shape_cast %parallel_loop3A_282 : vector<1x16xf32> to vector<16xf32>
        %parallel_loop3A_284 = arith.index_cast %parallel_loop3A_208 : i32 to index
        %parallel_loop3A_285 = arith.constant 112 : index
        %parallel_loop3A_286 = tpu.vector_load %arg8[%parallel_loop3A_284, %parallel_loop3A_285] {strides = array<i32>} : memref<80x128xf32, #tpu.memory_space<vmem>>, vector<1x16xf32>,
        %parallel_loop3A_287 = vector.shape_cast %parallel_loop3A_286 : vector<1x16xf32> to vector<16xf32>
        %parallel_loop3A_288 = vector.shape_cast %parallel_loop3A_283 : vector<16xf32> to vector<1x16xf32>
        tpu.vector_store %arg8[%parallel_loop3A_284, %parallel_loop3A_285], %parallel_loop3A_288 {add = true, strides = array<i32>} : memref<80x128xf32, #tpu.memory_space<vmem>>, vector<1x16xf32>,
      } {sc.loop_unroll_factor = 8 : i64, sc.parallel_access}
      %mul3A_79 = arith.constant 80 : i32
      %mul3A_80 = arith.muli %add3A_65, %mul3A_79 : i32
      %add3A_81 = arith.addi %mul3A_2, %mul3A_80 : i32
      %dma_start3A_82 = arith.constant 0 : i32
      %dma_start3A_83 = tpu.memref_slice %arg5[%add3A_81, %dma_start3A_82] : memref<204800x128xf32, #tpu.memory_space<hbm>> -> memref<80x128xf32, #tpu.memory_space<hbm>>
      %dma_start3A_84 = arith.constant 0 : i32
      %dma_start3A_85 = tpu.memref_slice %arg5[%add3A_81, %dma_start3A_84] : memref<204800x128xf32, #tpu.memory_space<hbm>> -> memref<80x128xf32, #tpu.memory_space<hbm>>
      tpu.enqueue_dma source(%arg8 : memref<80x128xf32, #tpu.memory_space<vmem>>) target(%dma_start3A_85 : memref<80x128xf32, #tpu.memory_space<hbm>>) target_semaphore(%arg19 : memref<!tpu.dma_semaphore, #tpu.memory_space<semaphore_mem>>)
      %ge3A_86 = arith.constant 1 : i32
      %ge3A_87 = arith.cmpi sge, %add3A_65, %ge3A_86 : i32
      %convert_element_type3A_88 = arith.extui %ge3A_87 : i1 to i32
      %cond3A_89 = arith.constant 0 : i32
      %cond3A_90 = arith.cmpi ne, %convert_element_type3A_88, %cond3A_89 : i32
      scf.if %cond3A_90 {
        %sub3A_208 = arith.constant 1 : i32
        %sub3A_209 = arith.subi %add3A_65, %sub3A_208 : i32
        %mul3A_210 = arith.constant 80 : i32
        %mul3A_211 = arith.muli %sub3A_209, %mul3A_210 : i32
        %add3A_212 = arith.addi %mul3A_2, %mul3A_211 : i32
        %dma_wait3A_213 = arith.constant 0 : i32
        %dma_wait3A_214 = tpu.memref_slice %arg5[%add3A_212, %dma_wait3A_213] : memref<204800x128xf32, #tpu.memory_space<hbm>> -> memref<80x128xf32, #tpu.memory_space<hbm>>
        %dma_wait3A_215 = arith.constant 0 : i32
        %dma_wait3A_216 = tpu.memref_slice %arg5[%add3A_212, %dma_wait3A_215] : memref<204800x128xf32, #tpu.memory_space<hbm>> -> memref<80x128xf32, #tpu.memory_space<hbm>>
        tpu.wait_dma2 semaphore(%arg18 : memref<!tpu.dma_semaphore, #tpu.memory_space<semaphore_mem>>) src(%arg7 : memref<80x128xf32, #tpu.memory_space<vmem>>) dst(%dma_wait3A_216 : memref<80x128xf32, #tpu.memory_space<hbm>>)
      } else {
      }
      %add3A_91 = arith.constant 5 : i32
      %add3A_92 = arith.addi %add3A_65, %add3A_91 : i32
      %sub3A_93 = arith.constant 1 : i32
      %sub3A_94 = arith.subi %add3A_92, %sub3A_93 : i32
      %lt3A_95 = arith.constant 80 : i32
      %lt3A_96 = arith.cmpi slt, %sub3A_94, %lt3A_95 : i32
      %convert_element_type3A_97 = arith.extui %lt3A_96 : i1 to i32
      %cond3A_98 = arith.constant 0 : i32
      %cond3A_99 = arith.cmpi ne, %convert_element_type3A_97, %cond3A_98 : i32
      scf.if %cond3A_99 {
        %add3A_208 = arith.constant 5 : i32
        %add3A_209 = arith.addi %add3A_65, %add3A_208 : i32
        %sub3A_210 = arith.constant 1 : i32
        %sub3A_211 = arith.subi %add3A_209, %sub3A_210 : i32
        %mul3A_212 = arith.constant 80 : i32
        %mul3A_213 = arith.muli %sub3A_211, %mul3A_212 : i32
        %dma_start3A_214 = tpu.memref_slice %arg6[%mul3A_213] : memref<6400xi32, #tpu.memory_space<vmem>> -> memref<80xi32, #tpu.memory_space<vmem>>
        %dma_start3A_215 = arith.constant 0 : i32
        %dma_start3A_216 = arith.constant 0 : i32
        %dma_start3A_217 = tpu.memref_slice %arg3[%dma_start3A_215, %dma_start3A_216] : memref<100000x128xf32, #tpu.memory_space<hbm>> -> memref<100000x128xf32, #tpu.memory_space<hbm>>
        tpu.enqueue_indirect_dma source(%dma_start3A_217 : memref<100000x128xf32, #tpu.memory_space<hbm>>) target(%arg7 : memref<80x128xf32, #tpu.memory_space<vmem>>) offsets(%dma_start3A_214 : memref<80xi32, #tpu.memory_space<vmem>>) semaphore(%arg13 : memref<!tpu.dma_semaphore, #tpu.memory_space<semaphore_mem>>)
      } else {
      }
      %add3A_100 = arith.constant 2 : i32
      %add3A_101 = arith.addi %mul3A_34, %add3A_100 : i32
      %mul3A_102 = arith.constant 80 : i32
      %mul3A_103 = arith.muli %add3A_101, %mul3A_102 : i32
      %dma_wait3A_104 = tpu.memref_slice %arg6[%mul3A_103] : memref<6400xi32, #tpu.memory_space<vmem>> -> memref<80xi32, #tpu.memory_space<vmem>>
      %dma_wait3A_105 = arith.constant 0 : i32
      %dma_wait3A_106 = arith.constant 0 : i32
      %dma_wait3A_107 = tpu.memref_slice %arg3[%dma_wait3A_105, %dma_wait3A_106] : memref<100000x128xf32, #tpu.memory_space<hbm>> -> memref<100000x128xf32, #tpu.memory_space<hbm>>
      tpu.wait_indirect_dma semaphore(%arg15 : memref<!tpu.dma_semaphore, #tpu.memory_space<semaphore_mem>>) src(%dma_wait3A_107 : memref<100000x128xf32, #tpu.memory_space<hbm>>) dst(%arg9 : memref<80x128xf32, #tpu.memory_space<vmem>>)
      %mul3A_108 = arith.constant 80 : i32
      %mul3A_109 = arith.muli %add3A_101, %mul3A_108 : i32
      %rem3A_110 = arith.constant 200 : i32
      %rem3A_111 = arith.remsi %mul3A_109, %rem3A_110 : i32
      %parallel_loop3A_112 = arith.constant 0 : i32
      %parallel_loop3A_113 = arith.constant 80 : i32
      %parallel_loop3A_114 = arith.constant 1 : i32
      scf.for %parallel_loop3A_208 = %parallel_loop3A_112 to %parallel_loop3A_113 step %parallel_loop3A_114  : i32 {
        %parallel_loop3A_209 = arith.addi %rem3A_111, %parallel_loop3A_208 : i32
        %parallel_loop3A_210 = arith.index_cast %parallel_loop3A_209 : i32 to index
        %parallel_loop3A_211 = arith.constant 0 : index
        %parallel_loop3A_212 = tpu.vector_load %arg12[%parallel_loop3A_210, %parallel_loop3A_211] {strides = array<i32>} : memref<400x128xf32, #tpu.memory_space<vmem>>, vector<1x16xf32>,
        %parallel_loop3A_213 = vector.shape_cast %parallel_loop3A_212 : vector<1x16xf32> to vector<16xf32>
        %parallel_loop3A_214 = arith.index_cast %parallel_loop3A_208 : i32 to index
        %parallel_loop3A_215 = arith.constant 0 : index
        %parallel_loop3A_216 = tpu.vector_load %arg9[%parallel_loop3A_214, %parallel_loop3A_215] {strides = array<i32>} : memref<80x128xf32, #tpu.memory_space<vmem>>, vector<1x16xf32>,
        %parallel_loop3A_217 = vector.shape_cast %parallel_loop3A_216 : vector<1x16xf32> to vector<16xf32>
        %parallel_loop3A_218 = vector.shape_cast %parallel_loop3A_213 : vector<16xf32> to vector<1x16xf32>
        tpu.vector_store %arg9[%parallel_loop3A_214, %parallel_loop3A_215], %parallel_loop3A_218 {add = true, strides = array<i32>} : memref<80x128xf32, #tpu.memory_space<vmem>>, vector<1x16xf32>,
        %parallel_loop3A_219 = arith.addi %rem3A_111, %parallel_loop3A_208 : i32
        %parallel_loop3A_220 = arith.index_cast %parallel_loop3A_219 : i32 to index
        %parallel_loop3A_221 = arith.constant 16 : index
        %parallel_loop3A_222 = tpu.vector_load %arg12[%parallel_loop3A_220, %parallel_loop3A_221] {strides = array<i32>} : memref<400x128xf32, #tpu.memory_space<vmem>>, vector<1x16xf32>,
        %parallel_loop3A_223 = vector.shape_cast %parallel_loop3A_222 : vector<1x16xf32> to vector<16xf32>
        %parallel_loop3A_224 = arith.index_cast %parallel_loop3A_208 : i32 to index
        %parallel_loop3A_225 = arith.constant 16 : index
        %parallel_loop3A_226 = tpu.vector_load %arg9[%parallel_loop3A_224, %parallel_loop3A_225] {strides = array<i32>} : memref<80x128xf32, #tpu.memory_space<vmem>>, vector<1x16xf32>,
        %parallel_loop3A_227 = vector.shape_cast %parallel_loop3A_226 : vector<1x16xf32> to vector<16xf32>
        %parallel_loop3A_228 = vector.shape_cast %parallel_loop3A_223 : vector<16xf32> to vector<1x16xf32>
        tpu.vector_store %arg9[%parallel_loop3A_224, %parallel_loop3A_225], %parallel_loop3A_228 {add = true, strides = array<i32>} : memref<80x128xf32, #tpu.memory_space<vmem>>, vector<1x16xf32>,
        %parallel_loop3A_229 = arith.addi %rem3A_111, %parallel_loop3A_208 : i32
        %parallel_loop3A_230 = arith.index_cast %parallel_loop3A_229 : i32 to index
        %parallel_loop3A_231 = arith.constant 32 : index
        %parallel_loop3A_232 = tpu.vector_load %arg12[%parallel_loop3A_230, %parallel_loop3A_231] {strides = array<i32>} : memref<400x128xf32, #tpu.memory_space<vmem>>, vector<1x16xf32>,
        %parallel_loop3A_233 = vector.shape_cast %parallel_loop3A_232 : vector<1x16xf32> to vector<16xf32>
        %parallel_loop3A_234 = arith.index_cast %parallel_loop3A_208 : i32 to index
        %parallel_loop3A_235 = arith.constant 32 : index
        %parallel_loop3A_236 = tpu.vector_load %arg9[%parallel_loop3A_234, %parallel_loop3A_235] {strides = array<i32>} : memref<80x128xf32, #tpu.memory_space<vmem>>, vector<1x16xf32>,
        %parallel_loop3A_237 = vector.shape_cast %parallel_loop3A_236 : vector<1x16xf32> to vector<16xf32>
        %parallel_loop3A_238 = vector.shape_cast %parallel_loop3A_233 : vector<16xf32> to vector<1x16xf32>
        tpu.vector_store %arg9[%parallel_loop3A_234, %parallel_loop3A_235], %parallel_loop3A_238 {add = true, strides = array<i32>} : memref<80x128xf32, #tpu.memory_space<vmem>>, vector<1x16xf32>,
        %parallel_loop3A_239 = arith.addi %rem3A_111, %parallel_loop3A_208 : i32
        %parallel_loop3A_240 = arith.index_cast %parallel_loop3A_239 : i32 to index
        %parallel_loop3A_241 = arith.constant 48 : index
        %parallel_loop3A_242 = tpu.vector_load %arg12[%parallel_loop3A_240, %parallel_loop3A_241] {strides = array<i32>} : memref<400x128xf32, #tpu.memory_space<vmem>>, vector<1x16xf32>,
        %parallel_loop3A_243 = vector.shape_cast %parallel_loop3A_242 : vector<1x16xf32> to vector<16xf32>
        %parallel_loop3A_244 = arith.index_cast %parallel_loop3A_208 : i32 to index
        %parallel_loop3A_245 = arith.constant 48 : index
        %parallel_loop3A_246 = tpu.vector_load %arg9[%parallel_loop3A_244, %parallel_loop3A_245] {strides = array<i32>} : memref<80x128xf32, #tpu.memory_space<vmem>>, vector<1x16xf32>,
        %parallel_loop3A_247 = vector.shape_cast %parallel_loop3A_246 : vector<1x16xf32> to vector<16xf32>
        %parallel_loop3A_248 = vector.shape_cast %parallel_loop3A_243 : vector<16xf32> to vector<1x16xf32>
        tpu.vector_store %arg9[%parallel_loop3A_244, %parallel_loop3A_245], %parallel_loop3A_248 {add = true, strides = array<i32>} : memref<80x128xf32, #tpu.memory_space<vmem>>, vector<1x16xf32>,
        %parallel_loop3A_249 = arith.addi %rem3A_111, %parallel_loop3A_208 : i32
        %parallel_loop3A_250 = arith.index_cast %parallel_loop3A_249 : i32 to index
        %parallel_loop3A_251 = arith.constant 64 : index
        %parallel_loop3A_252 = tpu.vector_load %arg12[%parallel_loop3A_250, %parallel_loop3A_251] {strides = array<i32>} : memref<400x128xf32, #tpu.memory_space<vmem>>, vector<1x16xf32>,
        %parallel_loop3A_253 = vector.shape_cast %parallel_loop3A_252 : vector<1x16xf32> to vector<16xf32>
        %parallel_loop3A_254 = arith.index_cast %parallel_loop3A_208 : i32 to index
        %parallel_loop3A_255 = arith.constant 64 : index
        %parallel_loop3A_256 = tpu.vector_load %arg9[%parallel_loop3A_254, %parallel_loop3A_255] {strides = array<i32>} : memref<80x128xf32, #tpu.memory_space<vmem>>, vector<1x16xf32>,
        %parallel_loop3A_257 = vector.shape_cast %parallel_loop3A_256 : vector<1x16xf32> to vector<16xf32>
        %parallel_loop3A_258 = vector.shape_cast %parallel_loop3A_253 : vector<16xf32> to vector<1x16xf32>
        tpu.vector_store %arg9[%parallel_loop3A_254, %parallel_loop3A_255], %parallel_loop3A_258 {add = true, strides = array<i32>} : memref<80x128xf32, #tpu.memory_space<vmem>>, vector<1x16xf32>,
        %parallel_loop3A_259 = arith.addi %rem3A_111, %parallel_loop3A_208 : i32
        %parallel_loop3A_260 = arith.index_cast %parallel_loop3A_259 : i32 to index
        %parallel_loop3A_261 = arith.constant 80 : index
        %parallel_loop3A_262 = tpu.vector_load %arg12[%parallel_loop3A_260, %parallel_loop3A_261] {strides = array<i32>} : memref<400x128xf32, #tpu.memory_space<vmem>>, vector<1x16xf32>,
        %parallel_loop3A_263 = vector.shape_cast %parallel_loop3A_262 : vector<1x16xf32> to vector<16xf32>
        %parallel_loop3A_264 = arith.index_cast %parallel_loop3A_208 : i32 to index
        %parallel_loop3A_265 = arith.constant 80 : index
        %parallel_loop3A_266 = tpu.vector_load %arg9[%parallel_loop3A_264, %parallel_loop3A_265] {strides = array<i32>} : memref<80x128xf32, #tpu.memory_space<vmem>>, vector<1x16xf32>,
        %parallel_loop3A_267 = vector.shape_cast %parallel_loop3A_266 : vector<1x16xf32> to vector<16xf32>
        %parallel_loop3A_268 = vector.shape_cast %parallel_loop3A_263 : vector<16xf32> to vector<1x16xf32>
        tpu.vector_store %arg9[%parallel_loop3A_264, %parallel_loop3A_265], %parallel_loop3A_268 {add = true, strides = array<i32>} : memref<80x128xf32, #tpu.memory_space<vmem>>, vector<1x16xf32>,
        %parallel_loop3A_269 = arith.addi %rem3A_111, %parallel_loop3A_208 : i32
        %parallel_loop3A_270 = arith.index_cast %parallel_loop3A_269 : i32 to index
        %parallel_loop3A_271 = arith.constant 96 : index
        %parallel_loop3A_272 = tpu.vector_load %arg12[%parallel_loop3A_270, %parallel_loop3A_271] {strides = array<i32>} : memref<400x128xf32, #tpu.memory_space<vmem>>, vector<1x16xf32>,
        %parallel_loop3A_273 = vector.shape_cast %parallel_loop3A_272 : vector<1x16xf32> to vector<16xf32>
        %parallel_loop3A_274 = arith.index_cast %parallel_loop3A_208 : i32 to index
        %parallel_loop3A_275 = arith.constant 96 : index
        %parallel_loop3A_276 = tpu.vector_load %arg9[%parallel_loop3A_274, %parallel_loop3A_275] {strides = array<i32>} : memref<80x128xf32, #tpu.memory_space<vmem>>, vector<1x16xf32>,
        %parallel_loop3A_277 = vector.shape_cast %parallel_loop3A_276 : vector<1x16xf32> to vector<16xf32>
        %parallel_loop3A_278 = vector.shape_cast %parallel_loop3A_273 : vector<16xf32> to vector<1x16xf32>
        tpu.vector_store %arg9[%parallel_loop3A_274, %parallel_loop3A_275], %parallel_loop3A_278 {add = true, strides = array<i32>} : memref<80x128xf32, #tpu.memory_space<vmem>>, vector<1x16xf32>,
        %parallel_loop3A_279 = arith.addi %rem3A_111, %parallel_loop3A_208 : i32
        %parallel_loop3A_280 = arith.index_cast %parallel_loop3A_279 : i32 to index
        %parallel_loop3A_281 = arith.constant 112 : index
        %parallel_loop3A_282 = tpu.vector_load %arg12[%parallel_loop3A_280, %parallel_loop3A_281] {strides = array<i32>} : memref<400x128xf32, #tpu.memory_space<vmem>>, vector<1x16xf32>,
        %parallel_loop3A_283 = vector.shape_cast %parallel_loop3A_282 : vector<1x16xf32> to vector<16xf32>
        %parallel_loop3A_284 = arith.index_cast %parallel_loop3A_208 : i32 to index
        %parallel_loop3A_285 = arith.constant 112 : index
        %parallel_loop3A_286 = tpu.vector_load %arg9[%parallel_loop3A_284, %parallel_loop3A_285] {strides = array<i32>} : memref<80x128xf32, #tpu.memory_space<vmem>>, vector<1x16xf32>,
        %parallel_loop3A_287 = vector.shape_cast %parallel_loop3A_286 : vector<1x16xf32> to vector<16xf32>
        %parallel_loop3A_288 = vector.shape_cast %parallel_loop3A_283 : vector<16xf32> to vector<1x16xf32>
        tpu.vector_store %arg9[%parallel_loop3A_284, %parallel_loop3A_285], %parallel_loop3A_288 {add = true, strides = array<i32>} : memref<80x128xf32, #tpu.memory_space<vmem>>, vector<1x16xf32>,
      } {sc.loop_unroll_factor = 8 : i64, sc.parallel_access}
      %mul3A_115 = arith.constant 80 : i32
      %mul3A_116 = arith.muli %add3A_101, %mul3A_115 : i32
      %add3A_117 = arith.addi %mul3A_2, %mul3A_116 : i32
      %dma_start3A_118 = arith.constant 0 : i32
      %dma_start3A_119 = tpu.memref_slice %arg5[%add3A_117, %dma_start3A_118] : memref<204800x128xf32, #tpu.memory_space<hbm>> -> memref<80x128xf32, #tpu.memory_space<hbm>>
      %dma_start3A_120 = arith.constant 0 : i32
      %dma_start3A_121 = tpu.memref_slice %arg5[%add3A_117, %dma_start3A_120] : memref<204800x128xf32, #tpu.memory_space<hbm>> -> memref<80x128xf32, #tpu.memory_space<hbm>>
      tpu.enqueue_dma source(%arg9 : memref<80x128xf32, #tpu.memory_space<vmem>>) target(%dma_start3A_121 : memref<80x128xf32, #tpu.memory_space<hbm>>) target_semaphore(%arg20 : memref<!tpu.dma_semaphore, #tpu.memory_space<semaphore_mem>>)
      %ge3A_122 = arith.constant 1 : i32
      %ge3A_123 = arith.cmpi sge, %add3A_101, %ge3A_122 : i32
      %convert_element_type3A_124 = arith.extui %ge3A_123 : i1 to i32
      %cond3A_125 = arith.constant 0 : i32
      %cond3A_126 = arith.cmpi ne, %convert_element_type3A_124, %cond3A_125 : i32
      scf.if %cond3A_126 {
        %sub3A_208 = arith.constant 1 : i32
        %sub3A_209 = arith.subi %add3A_101, %sub3A_208 : i32
        %mul3A_210 = arith.constant 80 : i32
        %mul3A_211 = arith.muli %sub3A_209, %mul3A_210 : i32
        %add3A_212 = arith.addi %mul3A_2, %mul3A_211 : i32
        %dma_wait3A_213 = arith.constant 0 : i32
        %dma_wait3A_214 = tpu.memref_slice %arg5[%add3A_212, %dma_wait3A_213] : memref<204800x128xf32, #tpu.memory_space<hbm>> -> memref<80x128xf32, #tpu.memory_space<hbm>>
        %dma_wait3A_215 = arith.constant 0 : i32
        %dma_wait3A_216 = tpu.memref_slice %arg5[%add3A_212, %dma_wait3A_215] : memref<204800x128xf32, #tpu.memory_space<hbm>> -> memref<80x128xf32, #tpu.memory_space<hbm>>
        tpu.wait_dma2 semaphore(%arg19 : memref<!tpu.dma_semaphore, #tpu.memory_space<semaphore_mem>>) src(%arg8 : memref<80x128xf32, #tpu.memory_space<vmem>>) dst(%dma_wait3A_216 : memref<80x128xf32, #tpu.memory_space<hbm>>)
      } else {
      }
      %add3A_127 = arith.constant 5 : i32
      %add3A_128 = arith.addi %add3A_101, %add3A_127 : i32
      %sub3A_129 = arith.constant 1 : i32
      %sub3A_130 = arith.subi %add3A_128, %sub3A_129 : i32
      %lt3A_131 = arith.constant 80 : i32
      %lt3A_132 = arith.cmpi slt, %sub3A_130, %lt3A_131 : i32
      %convert_element_type3A_133 = arith.extui %lt3A_132 : i1 to i32
      %cond3A_134 = arith.constant 0 : i32
      %cond3A_135 = arith.cmpi ne, %convert_element_type3A_133, %cond3A_134 : i32
      scf.if %cond3A_135 {
        %add3A_208 = arith.constant 5 : i32
        %add3A_209 = arith.addi %add3A_101, %add3A_208 : i32
        %sub3A_210 = arith.constant 1 : i32
        %sub3A_211 = arith.subi %add3A_209, %sub3A_210 : i32
        %mul3A_212 = arith.constant 80 : i32
        %mul3A_213 = arith.muli %sub3A_211, %mul3A_212 : i32
        %dma_start3A_214 = tpu.memref_slice %arg6[%mul3A_213] : memref<6400xi32, #tpu.memory_space<vmem>> -> memref<80xi32, #tpu.memory_space<vmem>>
        %dma_start3A_215 = arith.constant 0 : i32
        %dma_start3A_216 = arith.constant 0 : i32
        %dma_start3A_217 = tpu.memref_slice %arg3[%dma_start3A_215, %dma_start3A_216] : memref<100000x128xf32, #tpu.memory_space<hbm>> -> memref<100000x128xf32, #tpu.memory_space<hbm>>
        tpu.enqueue_indirect_dma source(%dma_start3A_217 : memref<100000x128xf32, #tpu.memory_space<hbm>>) target(%arg8 : memref<80x128xf32, #tpu.memory_space<vmem>>) offsets(%dma_start3A_214 : memref<80xi32, #tpu.memory_space<vmem>>) semaphore(%arg14 : memref<!tpu.dma_semaphore, #tpu.memory_space<semaphore_mem>>)
      } else {
      }
      %add3A_136 = arith.constant 3 : i32
      %add3A_137 = arith.addi %mul3A_34, %add3A_136 : i32
      %mul3A_138 = arith.constant 80 : i32
      %mul3A_139 = arith.muli %add3A_137, %mul3A_138 : i32
      %dma_wait3A_140 = tpu.memref_slice %arg6[%mul3A_139] : memref<6400xi32, #tpu.memory_space<vmem>> -> memref<80xi32, #tpu.memory_space<vmem>>
      %dma_wait3A_141 = arith.constant 0 : i32
      %dma_wait3A_142 = arith.constant 0 : i32
      %dma_wait3A_143 = tpu.memref_slice %arg3[%dma_wait3A_141, %dma_wait3A_142] : memref<100000x128xf32, #tpu.memory_space<hbm>> -> memref<100000x128xf32, #tpu.memory_space<hbm>>
      tpu.wait_indirect_dma semaphore(%arg16 : memref<!tpu.dma_semaphore, #tpu.memory_space<semaphore_mem>>) src(%dma_wait3A_143 : memref<100000x128xf32, #tpu.memory_space<hbm>>) dst(%arg10 : memref<80x128xf32, #tpu.memory_space<vmem>>)
      %mul3A_144 = arith.constant 80 : i32
      %mul3A_145 = arith.muli %add3A_137, %mul3A_144 : i32
      %rem3A_146 = arith.constant 200 : i32
      %rem3A_147 = arith.remsi %mul3A_145, %rem3A_146 : i32
      %parallel_loop3A_148 = arith.constant 0 : i32
      %parallel_loop3A_149 = arith.constant 80 : i32
      %parallel_loop3A_150 = arith.constant 1 : i32
      scf.for %parallel_loop3A_208 = %parallel_loop3A_148 to %parallel_loop3A_149 step %parallel_loop3A_150  : i32 {
        %parallel_loop3A_209 = arith.addi %rem3A_147, %parallel_loop3A_208 : i32
        %parallel_loop3A_210 = arith.index_cast %parallel_loop3A_209 : i32 to index
        %parallel_loop3A_211 = arith.constant 0 : index
        %parallel_loop3A_212 = tpu.vector_load %arg12[%parallel_loop3A_210, %parallel_loop3A_211] {strides = array<i32>} : memref<400x128xf32, #tpu.memory_space<vmem>>, vector<1x16xf32>,
        %parallel_loop3A_213 = vector.shape_cast %parallel_loop3A_212 : vector<1x16xf32> to vector<16xf32>
        %parallel_loop3A_214 = arith.index_cast %parallel_loop3A_208 : i32 to index
        %parallel_loop3A_215 = arith.constant 0 : index
        %parallel_loop3A_216 = tpu.vector_load %arg10[%parallel_loop3A_214, %parallel_loop3A_215] {strides = array<i32>} : memref<80x128xf32, #tpu.memory_space<vmem>>, vector<1x16xf32>,
        %parallel_loop3A_217 = vector.shape_cast %parallel_loop3A_216 : vector<1x16xf32> to vector<16xf32>
        %parallel_loop3A_218 = vector.shape_cast %parallel_loop3A_213 : vector<16xf32> to vector<1x16xf32>
        tpu.vector_store %arg10[%parallel_loop3A_214, %parallel_loop3A_215], %parallel_loop3A_218 {add = true, strides = array<i32>} : memref<80x128xf32, #tpu.memory_space<vmem>>, vector<1x16xf32>,
        %parallel_loop3A_219 = arith.addi %rem3A_147, %parallel_loop3A_208 : i32
        %parallel_loop3A_220 = arith.index_cast %parallel_loop3A_219 : i32 to index
        %parallel_loop3A_221 = arith.constant 16 : index
        %parallel_loop3A_222 = tpu.vector_load %arg12[%parallel_loop3A_220, %parallel_loop3A_221] {strides = array<i32>} : memref<400x128xf32, #tpu.memory_space<vmem>>, vector<1x16xf32>,
        %parallel_loop3A_223 = vector.shape_cast %parallel_loop3A_222 : vector<1x16xf32> to vector<16xf32>
        %parallel_loop3A_224 = arith.index_cast %parallel_loop3A_208 : i32 to index
        %parallel_loop3A_225 = arith.constant 16 : index
        %parallel_loop3A_226 = tpu.vector_load %arg10[%parallel_loop3A_224, %parallel_loop3A_225] {strides = array<i32>} : memref<80x128xf32, #tpu.memory_space<vmem>>, vector<1x16xf32>,
        %parallel_loop3A_227 = vector.shape_cast %parallel_loop3A_226 : vector<1x16xf32> to vector<16xf32>
        %parallel_loop3A_228 = vector.shape_cast %parallel_loop3A_223 : vector<16xf32> to vector<1x16xf32>
        tpu.vector_store %arg10[%parallel_loop3A_224, %parallel_loop3A_225], %parallel_loop3A_228 {add = true, strides = array<i32>} : memref<80x128xf32, #tpu.memory_space<vmem>>, vector<1x16xf32>,
        %parallel_loop3A_229 = arith.addi %rem3A_147, %parallel_loop3A_208 : i32
        %parallel_loop3A_230 = arith.index_cast %parallel_loop3A_229 : i32 to index
        %parallel_loop3A_231 = arith.constant 32 : index
        %parallel_loop3A_232 = tpu.vector_load %arg12[%parallel_loop3A_230, %parallel_loop3A_231] {strides = array<i32>} : memref<400x128xf32, #tpu.memory_space<vmem>>, vector<1x16xf32>,
        %parallel_loop3A_233 = vector.shape_cast %parallel_loop3A_232 : vector<1x16xf32> to vector<16xf32>
        %parallel_loop3A_234 = arith.index_cast %parallel_loop3A_208 : i32 to index
        %parallel_loop3A_235 = arith.constant 32 : index
        %parallel_loop3A_236 = tpu.vector_load %arg10[%parallel_loop3A_234, %parallel_loop3A_235] {strides = array<i32>} : memref<80x128xf32, #tpu.memory_space<vmem>>, vector<1x16xf32>,
        %parallel_loop3A_237 = vector.shape_cast %parallel_loop3A_236 : vector<1x16xf32> to vector<16xf32>
        %parallel_loop3A_238 = vector.shape_cast %parallel_loop3A_233 : vector<16xf32> to vector<1x16xf32>
        tpu.vector_store %arg10[%parallel_loop3A_234, %parallel_loop3A_235], %parallel_loop3A_238 {add = true, strides = array<i32>} : memref<80x128xf32, #tpu.memory_space<vmem>>, vector<1x16xf32>,
        %parallel_loop3A_239 = arith.addi %rem3A_147, %parallel_loop3A_208 : i32
        %parallel_loop3A_240 = arith.index_cast %parallel_loop3A_239 : i32 to index
        %parallel_loop3A_241 = arith.constant 48 : index
        %parallel_loop3A_242 = tpu.vector_load %arg12[%parallel_loop3A_240, %parallel_loop3A_241] {strides = array<i32>} : memref<400x128xf32, #tpu.memory_space<vmem>>, vector<1x16xf32>,
        %parallel_loop3A_243 = vector.shape_cast %parallel_loop3A_242 : vector<1x16xf32> to vector<16xf32>
        %parallel_loop3A_244 = arith.index_cast %parallel_loop3A_208 : i32 to index
        %parallel_loop3A_245 = arith.constant 48 : index
        %parallel_loop3A_246 = tpu.vector_load %arg10[%parallel_loop3A_244, %parallel_loop3A_245] {strides = array<i32>} : memref<80x128xf32, #tpu.memory_space<vmem>>, vector<1x16xf32>,
        %parallel_loop3A_247 = vector.shape_cast %parallel_loop3A_246 : vector<1x16xf32> to vector<16xf32>
        %parallel_loop3A_248 = vector.shape_cast %parallel_loop3A_243 : vector<16xf32> to vector<1x16xf32>
        tpu.vector_store %arg10[%parallel_loop3A_244, %parallel_loop3A_245], %parallel_loop3A_248 {add = true, strides = array<i32>} : memref<80x128xf32, #tpu.memory_space<vmem>>, vector<1x16xf32>,
        %parallel_loop3A_249 = arith.addi %rem3A_147, %parallel_loop3A_208 : i32
        %parallel_loop3A_250 = arith.index_cast %parallel_loop3A_249 : i32 to index
        %parallel_loop3A_251 = arith.constant 64 : index
        %parallel_loop3A_252 = tpu.vector_load %arg12[%parallel_loop3A_250, %parallel_loop3A_251] {strides = array<i32>} : memref<400x128xf32, #tpu.memory_space<vmem>>, vector<1x16xf32>,
        %parallel_loop3A_253 = vector.shape_cast %parallel_loop3A_252 : vector<1x16xf32> to vector<16xf32>
        %parallel_loop3A_254 = arith.index_cast %parallel_loop3A_208 : i32 to index
        %parallel_loop3A_255 = arith.constant 64 : index
        %parallel_loop3A_256 = tpu.vector_load %arg10[%parallel_loop3A_254, %parallel_loop3A_255] {strides = array<i32>} : memref<80x128xf32, #tpu.memory_space<vmem>>, vector<1x16xf32>,
        %parallel_loop3A_257 = vector.shape_cast %parallel_loop3A_256 : vector<1x16xf32> to vector<16xf32>
        %parallel_loop3A_258 = vector.shape_cast %parallel_loop3A_253 : vector<16xf32> to vector<1x16xf32>
        tpu.vector_store %arg10[%parallel_loop3A_254, %parallel_loop3A_255], %parallel_loop3A_258 {add = true, strides = array<i32>} : memref<80x128xf32, #tpu.memory_space<vmem>>, vector<1x16xf32>,
        %parallel_loop3A_259 = arith.addi %rem3A_147, %parallel_loop3A_208 : i32
        %parallel_loop3A_260 = arith.index_cast %parallel_loop3A_259 : i32 to index
        %parallel_loop3A_261 = arith.constant 80 : index
        %parallel_loop3A_262 = tpu.vector_load %arg12[%parallel_loop3A_260, %parallel_loop3A_261] {strides = array<i32>} : memref<400x128xf32, #tpu.memory_space<vmem>>, vector<1x16xf32>,
        %parallel_loop3A_263 = vector.shape_cast %parallel_loop3A_262 : vector<1x16xf32> to vector<16xf32>
        %parallel_loop3A_264 = arith.index_cast %parallel_loop3A_208 : i32 to index
        %parallel_loop3A_265 = arith.constant 80 : index
        %parallel_loop3A_266 = tpu.vector_load %arg10[%parallel_loop3A_264, %parallel_loop3A_265] {strides = array<i32>} : memref<80x128xf32, #tpu.memory_space<vmem>>, vector<1x16xf32>,
        %parallel_loop3A_267 = vector.shape_cast %parallel_loop3A_266 : vector<1x16xf32> to vector<16xf32>
        %parallel_loop3A_268 = vector.shape_cast %parallel_loop3A_263 : vector<16xf32> to vector<1x16xf32>
        tpu.vector_store %arg10[%parallel_loop3A_264, %parallel_loop3A_265], %parallel_loop3A_268 {add = true, strides = array<i32>} : memref<80x128xf32, #tpu.memory_space<vmem>>, vector<1x16xf32>,
        %parallel_loop3A_269 = arith.addi %rem3A_147, %parallel_loop3A_208 : i32
        %parallel_loop3A_270 = arith.index_cast %parallel_loop3A_269 : i32 to index
        %parallel_loop3A_271 = arith.constant 96 : index
        %parallel_loop3A_272 = tpu.vector_load %arg12[%parallel_loop3A_270, %parallel_loop3A_271] {strides = array<i32>} : memref<400x128xf32, #tpu.memory_space<vmem>>, vector<1x16xf32>,
        %parallel_loop3A_273 = vector.shape_cast %parallel_loop3A_272 : vector<1x16xf32> to vector<16xf32>
        %parallel_loop3A_274 = arith.index_cast %parallel_loop3A_208 : i32 to index
        %parallel_loop3A_275 = arith.constant 96 : index
        %parallel_loop3A_276 = tpu.vector_load %arg10[%parallel_loop3A_274, %parallel_loop3A_275] {strides = array<i32>} : memref<80x128xf32, #tpu.memory_space<vmem>>, vector<1x16xf32>,
        %parallel_loop3A_277 = vector.shape_cast %parallel_loop3A_276 : vector<1x16xf32> to vector<16xf32>
        %parallel_loop3A_278 = vector.shape_cast %parallel_loop3A_273 : vector<16xf32> to vector<1x16xf32>
        tpu.vector_store %arg10[%parallel_loop3A_274, %parallel_loop3A_275], %parallel_loop3A_278 {add = true, strides = array<i32>} : memref<80x128xf32, #tpu.memory_space<vmem>>, vector<1x16xf32>,
        %parallel_loop3A_279 = arith.addi %rem3A_147, %parallel_loop3A_208 : i32
        %parallel_loop3A_280 = arith.index_cast %parallel_loop3A_279 : i32 to index
        %parallel_loop3A_281 = arith.constant 112 : index
        %parallel_loop3A_282 = tpu.vector_load %arg12[%parallel_loop3A_280, %parallel_loop3A_281] {strides = array<i32>} : memref<400x128xf32, #tpu.memory_space<vmem>>, vector<1x16xf32>,
        %parallel_loop3A_283 = vector.shape_cast %parallel_loop3A_282 : vector<1x16xf32> to vector<16xf32>
        %parallel_loop3A_284 = arith.index_cast %parallel_loop3A_208 : i32 to index
        %parallel_loop3A_285 = arith.constant 112 : index
        %parallel_loop3A_286 = tpu.vector_load %arg10[%parallel_loop3A_284, %parallel_loop3A_285] {strides = array<i32>} : memref<80x128xf32, #tpu.memory_space<vmem>>, vector<1x16xf32>,
        %parallel_loop3A_287 = vector.shape_cast %parallel_loop3A_286 : vector<1x16xf32> to vector<16xf32>
        %parallel_loop3A_288 = vector.shape_cast %parallel_loop3A_283 : vector<16xf32> to vector<1x16xf32>
        tpu.vector_store %arg10[%parallel_loop3A_284, %parallel_loop3A_285], %parallel_loop3A_288 {add = true, strides = array<i32>} : memref<80x128xf32, #tpu.memory_space<vmem>>, vector<1x16xf32>,
      } {sc.loop_unroll_factor = 8 : i64, sc.parallel_access}
      %mul3A_151 = arith.constant 80 : i32
      %mul3A_152 = arith.muli %add3A_137, %mul3A_151 : i32
      %add3A_153 = arith.addi %mul3A_2, %mul3A_152 : i32
      %dma_start3A_154 = arith.constant 0 : i32
      %dma_start3A_155 = tpu.memref_slice %arg5[%add3A_153, %dma_start3A_154] : memref<204800x128xf32, #tpu.memory_space<hbm>> -> memref<80x128xf32, #tpu.memory_space<hbm>>
      %dma_start3A_156 = arith.constant 0 : i32
      %dma_start3A_157 = tpu.memref_slice %arg5[%add3A_153, %dma_start3A_156] : memref<204800x128xf32, #tpu.memory_space<hbm>> -> memref<80x128xf32, #tpu.memory_space<hbm>>
      tpu.enqueue_dma source(%arg10 : memref<80x128xf32, #tpu.memory_space<vmem>>) target(%dma_start3A_157 : memref<80x128xf32, #tpu.memory_space<hbm>>) target_semaphore(%arg21 : memref<!tpu.dma_semaphore, #tpu.memory_space<semaphore_mem>>)
      %ge3A_158 = arith.constant 1 : i32
      %ge3A_159 = arith.cmpi sge, %add3A_137, %ge3A_158 : i32
      %convert_element_type3A_160 = arith.extui %ge3A_159 : i1 to i32
      %cond3A_161 = arith.constant 0 : i32
      %cond3A_162 = arith.cmpi ne, %convert_element_type3A_160, %cond3A_161 : i32
      scf.if %cond3A_162 {
        %sub3A_208 = arith.constant 1 : i32
        %sub3A_209 = arith.subi %add3A_137, %sub3A_208 : i32
        %mul3A_210 = arith.constant 80 : i32
        %mul3A_211 = arith.muli %sub3A_209, %mul3A_210 : i32
        %add3A_212 = arith.addi %mul3A_2, %mul3A_211 : i32
        %dma_wait3A_213 = arith.constant 0 : i32
        %dma_wait3A_214 = tpu.memref_slice %arg5[%add3A_212, %dma_wait3A_213] : memref<204800x128xf32, #tpu.memory_space<hbm>> -> memref<80x128xf32, #tpu.memory_space<hbm>>
        %dma_wait3A_215 = arith.constant 0 : i32
        %dma_wait3A_216 = tpu.memref_slice %arg5[%add3A_212, %dma_wait3A_215] : memref<204800x128xf32, #tpu.memory_space<hbm>> -> memref<80x128xf32, #tpu.memory_space<hbm>>
        tpu.wait_dma2 semaphore(%arg20 : memref<!tpu.dma_semaphore, #tpu.memory_space<semaphore_mem>>) src(%arg9 : memref<80x128xf32, #tpu.memory_space<vmem>>) dst(%dma_wait3A_216 : memref<80x128xf32, #tpu.memory_space<hbm>>)
      } else {
      }
      %add3A_163 = arith.constant 5 : i32
      %add3A_164 = arith.addi %add3A_137, %add3A_163 : i32
      %sub3A_165 = arith.constant 1 : i32
      %sub3A_166 = arith.subi %add3A_164, %sub3A_165 : i32
      %lt3A_167 = arith.constant 80 : i32
      %lt3A_168 = arith.cmpi slt, %sub3A_166, %lt3A_167 : i32
      %convert_element_type3A_169 = arith.extui %lt3A_168 : i1 to i32
      %cond3A_170 = arith.constant 0 : i32
      %cond3A_171 = arith.cmpi ne, %convert_element_type3A_169, %cond3A_170 : i32
      scf.if %cond3A_171 {
        %add3A_208 = arith.constant 5 : i32
        %add3A_209 = arith.addi %add3A_137, %add3A_208 : i32
        %sub3A_210 = arith.constant 1 : i32
        %sub3A_211 = arith.subi %add3A_209, %sub3A_210 : i32
        %mul3A_212 = arith.constant 80 : i32
        %mul3A_213 = arith.muli %sub3A_211, %mul3A_212 : i32
        %dma_start3A_214 = tpu.memref_slice %arg6[%mul3A_213] : memref<6400xi32, #tpu.memory_space<vmem>> -> memref<80xi32, #tpu.memory_space<vmem>>
        %dma_start3A_215 = arith.constant 0 : i32
        %dma_start3A_216 = arith.constant 0 : i32
        %dma_start3A_217 = tpu.memref_slice %arg3[%dma_start3A_215, %dma_start3A_216] : memref<100000x128xf32, #tpu.memory_space<hbm>> -> memref<100000x128xf32, #tpu.memory_space<hbm>>
        tpu.enqueue_indirect_dma source(%dma_start3A_217 : memref<100000x128xf32, #tpu.memory_space<hbm>>) target(%arg9 : memref<80x128xf32, #tpu.memory_space<vmem>>) offsets(%dma_start3A_214 : memref<80xi32, #tpu.memory_space<vmem>>) semaphore(%arg15 : memref<!tpu.dma_semaphore, #tpu.memory_space<semaphore_mem>>)
      } else {
      }
      %add3A_172 = arith.constant 4 : i32
      %add3A_173 = arith.addi %mul3A_34, %add3A_172 : i32
      %mul3A_174 = arith.constant 80 : i32
      %mul3A_175 = arith.muli %add3A_173, %mul3A_174 : i32
      %dma_wait3A_176 = tpu.memref_slice %arg6[%mul3A_175] : memref<6400xi32, #tpu.memory_space<vmem>> -> memref<80xi32, #tpu.memory_space<vmem>>
      %dma_wait3A_177 = arith.constant 0 : i32
      %dma_wait3A_178 = arith.constant 0 : i32
      %dma_wait3A_179 = tpu.memref_slice %arg3[%dma_wait3A_177, %dma_wait3A_178] : memref<100000x128xf32, #tpu.memory_space<hbm>> -> memref<100000x128xf32, #tpu.memory_space<hbm>>
      tpu.wait_indirect_dma semaphore(%arg17 : memref<!tpu.dma_semaphore, #tpu.memory_space<semaphore_mem>>) src(%dma_wait3A_179 : memref<100000x128xf32, #tpu.memory_space<hbm>>) dst(%arg11 : memref<80x128xf32, #tpu.memory_space<vmem>>)
      %mul3A_180 = arith.constant 80 : i32
      %mul3A_181 = arith.muli %add3A_173, %mul3A_180 : i32
      %rem3A_182 = arith.constant 200 : i32
      %rem3A_183 = arith.remsi %mul3A_181, %rem3A_182 : i32
      %parallel_loop3A_184 = arith.constant 0 : i32
      %parallel_loop3A_185 = arith.constant 80 : i32
      %parallel_loop3A_186 = arith.constant 1 : i32
      scf.for %parallel_loop3A_208 = %parallel_loop3A_184 to %parallel_loop3A_185 step %parallel_loop3A_186  : i32 {
        %parallel_loop3A_209 = arith.addi %rem3A_183, %parallel_loop3A_208 : i32
        %parallel_loop3A_210 = arith.index_cast %parallel_loop3A_209 : i32 to index
        %parallel_loop3A_211 = arith.constant 0 : index
        %parallel_loop3A_212 = tpu.vector_load %arg12[%parallel_loop3A_210, %parallel_loop3A_211] {strides = array<i32>} : memref<400x128xf32, #tpu.memory_space<vmem>>, vector<1x16xf32>,
        %parallel_loop3A_213 = vector.shape_cast %parallel_loop3A_212 : vector<1x16xf32> to vector<16xf32>
        %parallel_loop3A_214 = arith.index_cast %parallel_loop3A_208 : i32 to index
        %parallel_loop3A_215 = arith.constant 0 : index
        %parallel_loop3A_216 = tpu.vector_load %arg11[%parallel_loop3A_214, %parallel_loop3A_215] {strides = array<i32>} : memref<80x128xf32, #tpu.memory_space<vmem>>, vector<1x16xf32>,
        %parallel_loop3A_217 = vector.shape_cast %parallel_loop3A_216 : vector<1x16xf32> to vector<16xf32>
        %parallel_loop3A_218 = vector.shape_cast %parallel_loop3A_213 : vector<16xf32> to vector<1x16xf32>
        tpu.vector_store %arg11[%parallel_loop3A_214, %parallel_loop3A_215], %parallel_loop3A_218 {add = true, strides = array<i32>} : memref<80x128xf32, #tpu.memory_space<vmem>>, vector<1x16xf32>,
        %parallel_loop3A_219 = arith.addi %rem3A_183, %parallel_loop3A_208 : i32
        %parallel_loop3A_220 = arith.index_cast %parallel_loop3A_219 : i32 to index
        %parallel_loop3A_221 = arith.constant 16 : index
        %parallel_loop3A_222 = tpu.vector_load %arg12[%parallel_loop3A_220, %parallel_loop3A_221] {strides = array<i32>} : memref<400x128xf32, #tpu.memory_space<vmem>>, vector<1x16xf32>,
        %parallel_loop3A_223 = vector.shape_cast %parallel_loop3A_222 : vector<1x16xf32> to vector<16xf32>
        %parallel_loop3A_224 = arith.index_cast %parallel_loop3A_208 : i32 to index
        %parallel_loop3A_225 = arith.constant 16 : index
        %parallel_loop3A_226 = tpu.vector_load %arg11[%parallel_loop3A_224, %parallel_loop3A_225] {strides = array<i32>} : memref<80x128xf32, #tpu.memory_space<vmem>>, vector<1x16xf32>,
        %parallel_loop3A_227 = vector.shape_cast %parallel_loop3A_226 : vector<1x16xf32> to vector<16xf32>
        %parallel_loop3A_228 = vector.shape_cast %parallel_loop3A_223 : vector<16xf32> to vector<1x16xf32>
        tpu.vector_store %arg11[%parallel_loop3A_224, %parallel_loop3A_225], %parallel_loop3A_228 {add = true, strides = array<i32>} : memref<80x128xf32, #tpu.memory_space<vmem>>, vector<1x16xf32>,
        %parallel_loop3A_229 = arith.addi %rem3A_183, %parallel_loop3A_208 : i32
        %parallel_loop3A_230 = arith.index_cast %parallel_loop3A_229 : i32 to index
        %parallel_loop3A_231 = arith.constant 32 : index
        %parallel_loop3A_232 = tpu.vector_load %arg12[%parallel_loop3A_230, %parallel_loop3A_231] {strides = array<i32>} : memref<400x128xf32, #tpu.memory_space<vmem>>, vector<1x16xf32>,
        %parallel_loop3A_233 = vector.shape_cast %parallel_loop3A_232 : vector<1x16xf32> to vector<16xf32>
        %parallel_loop3A_234 = arith.index_cast %parallel_loop3A_208 : i32 to index
        %parallel_loop3A_235 = arith.constant 32 : index
        %parallel_loop3A_236 = tpu.vector_load %arg11[%parallel_loop3A_234, %parallel_loop3A_235] {strides = array<i32>} : memref<80x128xf32, #tpu.memory_space<vmem>>, vector<1x16xf32>,
        %parallel_loop3A_237 = vector.shape_cast %parallel_loop3A_236 : vector<1x16xf32> to vector<16xf32>
        %parallel_loop3A_238 = vector.shape_cast %parallel_loop3A_233 : vector<16xf32> to vector<1x16xf32>
        tpu.vector_store %arg11[%parallel_loop3A_234, %parallel_loop3A_235], %parallel_loop3A_238 {add = true, strides = array<i32>} : memref<80x128xf32, #tpu.memory_space<vmem>>, vector<1x16xf32>,
        %parallel_loop3A_239 = arith.addi %rem3A_183, %parallel_loop3A_208 : i32
        %parallel_loop3A_240 = arith.index_cast %parallel_loop3A_239 : i32 to index
        %parallel_loop3A_241 = arith.constant 48 : index
        %parallel_loop3A_242 = tpu.vector_load %arg12[%parallel_loop3A_240, %parallel_loop3A_241] {strides = array<i32>} : memref<400x128xf32, #tpu.memory_space<vmem>>, vector<1x16xf32>,
        %parallel_loop3A_243 = vector.shape_cast %parallel_loop3A_242 : vector<1x16xf32> to vector<16xf32>
        %parallel_loop3A_244 = arith.index_cast %parallel_loop3A_208 : i32 to index
        %parallel_loop3A_245 = arith.constant 48 : index
        %parallel_loop3A_246 = tpu.vector_load %arg11[%parallel_loop3A_244, %parallel_loop3A_245] {strides = array<i32>} : memref<80x128xf32, #tpu.memory_space<vmem>>, vector<1x16xf32>,
        %parallel_loop3A_247 = vector.shape_cast %parallel_loop3A_246 : vector<1x16xf32> to vector<16xf32>
        %parallel_loop3A_248 = vector.shape_cast %parallel_loop3A_243 : vector<16xf32> to vector<1x16xf32>
        tpu.vector_store %arg11[%parallel_loop3A_244, %parallel_loop3A_245], %parallel_loop3A_248 {add = true, strides = array<i32>} : memref<80x128xf32, #tpu.memory_space<vmem>>, vector<1x16xf32>,
        %parallel_loop3A_249 = arith.addi %rem3A_183, %parallel_loop3A_208 : i32
        %parallel_loop3A_250 = arith.index_cast %parallel_loop3A_249 : i32 to index
        %parallel_loop3A_251 = arith.constant 64 : index
        %parallel_loop3A_252 = tpu.vector_load %arg12[%parallel_loop3A_250, %parallel_loop3A_251] {strides = array<i32>} : memref<400x128xf32, #tpu.memory_space<vmem>>, vector<1x16xf32>,
        %parallel_loop3A_253 = vector.shape_cast %parallel_loop3A_252 : vector<1x16xf32> to vector<16xf32>
        %parallel_loop3A_254 = arith.index_cast %parallel_loop3A_208 : i32 to index
        %parallel_loop3A_255 = arith.constant 64 : index
        %parallel_loop3A_256 = tpu.vector_load %arg11[%parallel_loop3A_254, %parallel_loop3A_255] {strides = array<i32>} : memref<80x128xf32, #tpu.memory_space<vmem>>, vector<1x16xf32>,
        %parallel_loop3A_257 = vector.shape_cast %parallel_loop3A_256 : vector<1x16xf32> to vector<16xf32>
        %parallel_loop3A_258 = vector.shape_cast %parallel_loop3A_253 : vector<16xf32> to vector<1x16xf32>
        tpu.vector_store %arg11[%parallel_loop3A_254, %parallel_loop3A_255], %parallel_loop3A_258 {add = true, strides = array<i32>} : memref<80x128xf32, #tpu.memory_space<vmem>>, vector<1x16xf32>,
        %parallel_loop3A_259 = arith.addi %rem3A_183, %parallel_loop3A_208 : i32
        %parallel_loop3A_260 = arith.index_cast %parallel_loop3A_259 : i32 to index
        %parallel_loop3A_261 = arith.constant 80 : index
        %parallel_loop3A_262 = tpu.vector_load %arg12[%parallel_loop3A_260, %parallel_loop3A_261] {strides = array<i32>} : memref<400x128xf32, #tpu.memory_space<vmem>>, vector<1x16xf32>,
        %parallel_loop3A_263 = vector.shape_cast %parallel_loop3A_262 : vector<1x16xf32> to vector<16xf32>
        %parallel_loop3A_264 = arith.index_cast %parallel_loop3A_208 : i32 to index
        %parallel_loop3A_265 = arith.constant 80 : index
        %parallel_loop3A_266 = tpu.vector_load %arg11[%parallel_loop3A_264, %parallel_loop3A_265] {strides = array<i32>} : memref<80x128xf32, #tpu.memory_space<vmem>>, vector<1x16xf32>,
        %parallel_loop3A_267 = vector.shape_cast %parallel_loop3A_266 : vector<1x16xf32> to vector<16xf32>
        %parallel_loop3A_268 = vector.shape_cast %parallel_loop3A_263 : vector<16xf32> to vector<1x16xf32>
        tpu.vector_store %arg11[%parallel_loop3A_264, %parallel_loop3A_265], %parallel_loop3A_268 {add = true, strides = array<i32>} : memref<80x128xf32, #tpu.memory_space<vmem>>, vector<1x16xf32>,
        %parallel_loop3A_269 = arith.addi %rem3A_183, %parallel_loop3A_208 : i32
        %parallel_loop3A_270 = arith.index_cast %parallel_loop3A_269 : i32 to index
        %parallel_loop3A_271 = arith.constant 96 : index
        %parallel_loop3A_272 = tpu.vector_load %arg12[%parallel_loop3A_270, %parallel_loop3A_271] {strides = array<i32>} : memref<400x128xf32, #tpu.memory_space<vmem>>, vector<1x16xf32>,
        %parallel_loop3A_273 = vector.shape_cast %parallel_loop3A_272 : vector<1x16xf32> to vector<16xf32>
        %parallel_loop3A_274 = arith.index_cast %parallel_loop3A_208 : i32 to index
        %parallel_loop3A_275 = arith.constant 96 : index
        %parallel_loop3A_276 = tpu.vector_load %arg11[%parallel_loop3A_274, %parallel_loop3A_275] {strides = array<i32>} : memref<80x128xf32, #tpu.memory_space<vmem>>, vector<1x16xf32>,
        %parallel_loop3A_277 = vector.shape_cast %parallel_loop3A_276 : vector<1x16xf32> to vector<16xf32>
        %parallel_loop3A_278 = vector.shape_cast %parallel_loop3A_273 : vector<16xf32> to vector<1x16xf32>
        tpu.vector_store %arg11[%parallel_loop3A_274, %parallel_loop3A_275], %parallel_loop3A_278 {add = true, strides = array<i32>} : memref<80x128xf32, #tpu.memory_space<vmem>>, vector<1x16xf32>,
        %parallel_loop3A_279 = arith.addi %rem3A_183, %parallel_loop3A_208 : i32
        %parallel_loop3A_280 = arith.index_cast %parallel_loop3A_279 : i32 to index
        %parallel_loop3A_281 = arith.constant 112 : index
        %parallel_loop3A_282 = tpu.vector_load %arg12[%parallel_loop3A_280, %parallel_loop3A_281] {strides = array<i32>} : memref<400x128xf32, #tpu.memory_space<vmem>>, vector<1x16xf32>,
        %parallel_loop3A_283 = vector.shape_cast %parallel_loop3A_282 : vector<1x16xf32> to vector<16xf32>
        %parallel_loop3A_284 = arith.index_cast %parallel_loop3A_208 : i32 to index
        %parallel_loop3A_285 = arith.constant 112 : index
        %parallel_loop3A_286 = tpu.vector_load %arg11[%parallel_loop3A_284, %parallel_loop3A_285] {strides = array<i32>} : memref<80x128xf32, #tpu.memory_space<vmem>>, vector<1x16xf32>,
        %parallel_loop3A_287 = vector.shape_cast %parallel_loop3A_286 : vector<1x16xf32> to vector<16xf32>
        %parallel_loop3A_288 = vector.shape_cast %parallel_loop3A_283 : vector<16xf32> to vector<1x16xf32>
        tpu.vector_store %arg11[%parallel_loop3A_284, %parallel_loop3A_285], %parallel_loop3A_288 {add = true, strides = array<i32>} : memref<80x128xf32, #tpu.memory_space<vmem>>, vector<1x16xf32>,
      } {sc.loop_unroll_factor = 8 : i64, sc.parallel_access}
      %mul3A_187 = arith.constant 80 : i32
      %mul3A_188 = arith.muli %add3A_173, %mul3A_187 : i32
      %add3A_189 = arith.addi %mul3A_2, %mul3A_188 : i32
      %dma_start3A_190 = arith.constant 0 : i32
      %dma_start3A_191 = tpu.memref_slice %arg5[%add3A_189, %dma_start3A_190] : memref<204800x128xf32, #tpu.memory_space<hbm>> -> memref<80x128xf32, #tpu.memory_space<hbm>>
      %dma_start3A_192 = arith.constant 0 : i32
      %dma_start3A_193 = tpu.memref_slice %arg5[%add3A_189, %dma_start3A_192] : memref<204800x128xf32, #tpu.memory_space<hbm>> -> memref<80x128xf32, #tpu.memory_space<hbm>>
      tpu.enqueue_dma source(%arg11 : memref<80x128xf32, #tpu.memory_space<vmem>>) target(%dma_start3A_193 : memref<80x128xf32, #tpu.memory_space<hbm>>) target_semaphore(%arg22 : memref<!tpu.dma_semaphore, #tpu.memory_space<semaphore_mem>>)
      %ge3A_194 = arith.constant 1 : i32
      %ge3A_195 = arith.cmpi sge, %add3A_173, %ge3A_194 : i32
      %convert_element_type3A_196 = arith.extui %ge3A_195 : i1 to i32
      %cond3A_197 = arith.constant 0 : i32
      %cond3A_198 = arith.cmpi ne, %convert_element_type3A_196, %cond3A_197 : i32
      scf.if %cond3A_198 {
        %sub3A_208 = arith.constant 1 : i32
        %sub3A_209 = arith.subi %add3A_173, %sub3A_208 : i32
        %mul3A_210 = arith.constant 80 : i32
        %mul3A_211 = arith.muli %sub3A_209, %mul3A_210 : i32
        %add3A_212 = arith.addi %mul3A_2, %mul3A_211 : i32
        %dma_wait3A_213 = arith.constant 0 : i32
        %dma_wait3A_214 = tpu.memref_slice %arg5[%add3A_212, %dma_wait3A_213] : memref<204800x128xf32, #tpu.memory_space<hbm>> -> memref<80x128xf32, #tpu.memory_space<hbm>>
        %dma_wait3A_215 = arith.constant 0 : i32
        %dma_wait3A_216 = tpu.memref_slice %arg5[%add3A_212, %dma_wait3A_215] : memref<204800x128xf32, #tpu.memory_space<hbm>> -> memref<80x128xf32, #tpu.memory_space<hbm>>
        tpu.wait_dma2 semaphore(%arg21 : memref<!tpu.dma_semaphore, #tpu.memory_space<semaphore_mem>>) src(%arg10 : memref<80x128xf32, #tpu.memory_space<vmem>>) dst(%dma_wait3A_216 : memref<80x128xf32, #tpu.memory_space<hbm>>)
      } else {
      }
      %add3A_199 = arith.constant 5 : i32
      %add3A_200 = arith.addi %add3A_173, %add3A_199 : i32
      %sub3A_201 = arith.constant 1 : i32
      %sub3A_202 = arith.subi %add3A_200, %sub3A_201 : i32
      %lt3A_203 = arith.constant 80 : i32
      %lt3A_204 = arith.cmpi slt, %sub3A_202, %lt3A_203 : i32
      %convert_element_type3A_205 = arith.extui %lt3A_204 : i1 to i32
      %cond3A_206 = arith.constant 0 : i32
      %cond3A_207 = arith.cmpi ne, %convert_element_type3A_205, %cond3A_206 : i32
      scf.if %cond3A_207 {
        %add3A_208 = arith.constant 5 : i32
        %add3A_209 = arith.addi %add3A_173, %add3A_208 : i32
        %sub3A_210 = arith.constant 1 : i32
        %sub3A_211 = arith.subi %add3A_209, %sub3A_210 : i32
        %mul3A_212 = arith.constant 80 : i32
        %mul3A_213 = arith.muli %sub3A_211, %mul3A_212 : i32
        %dma_start3A_214 = tpu.memref_slice %arg6[%mul3A_213] : memref<6400xi32, #tpu.memory_space<vmem>> -> memref<80xi32, #tpu.memory_space<vmem>>
        %dma_start3A_215 = arith.constant 0 : i32
        %dma_start3A_216 = arith.constant 0 : i32
        %dma_start3A_217 = tpu.memref_slice %arg3[%dma_start3A_215, %dma_start3A_216] : memref<100000x128xf32, #tpu.memory_space<hbm>> -> memref<100000x128xf32, #tpu.memory_space<hbm>>
        tpu.enqueue_indirect_dma source(%dma_start3A_217 : memref<100000x128xf32, #tpu.memory_space<hbm>>) target(%arg10 : memref<80x128xf32, #tpu.memory_space<vmem>>) offsets(%dma_start3A_214 : memref<80xi32, #tpu.memory_space<vmem>>) semaphore(%arg16 : memref<!tpu.dma_semaphore, #tpu.memory_space<semaphore_mem>>)
      } else {
      }
    }
    %scan3A_26 = arith.constant 16 : i32
    %add3A_27 = arith.constant 6320 : i32
    %add3A_28 = arith.addi %mul3A_2, %add3A_27 : i32
    %dma_wait3A = arith.constant 0 : i32
    %dma_wait3A_29 = tpu.memref_slice %arg5[%add3A_28, %dma_wait3A] : memref<204800x128xf32, #tpu.memory_space<hbm>> -> memref<80x128xf32, #tpu.memory_space<hbm>>
    %dma_wait3A_30 = arith.constant 0 : i32
    %dma_wait3A_31 = tpu.memref_slice %arg5[%add3A_28, %dma_wait3A_30] : memref<204800x128xf32, #tpu.memory_space<hbm>> -> memref<80x128xf32, #tpu.memory_space<hbm>>
    tpu.wait_dma2 semaphore(%arg22 : memref<!tpu.dma_semaphore, #tpu.memory_space<semaphore_mem>>) src(%arg11 : memref<80x128xf32, #tpu.memory_space<vmem>>) dst(%dma_wait3A_31 : memref<80x128xf32, #tpu.memory_space<hbm>>)
    return
  }
}

</mosaic_0001>

<sc_bundles>
// kernel: _run.3.cloned.1.call-start
scs
__scs_entry_jumppad:
0x0: {  	(pc) =	sbr.rel $0x88, $3  }
0x1: {  	(tag) =	ssettag $0x0;
	lr =	simm.s32 $0x1  }
0x2: {  	[smem:$0x3F9E] =	sst lr;
	_ =	strace $0xD0000000  }
0x3: {  	_ = 	snop  }
0x4: {  	_ = 	snop  }
0x5: {  	_ = 	snop  }
0x6: {  	_ = 	snop  }
0x7: {  	_ = 	snop  }
__scs_overlays_trampoline_lowered:
0x8: {  	[smem:$0x3FAD] =	sst s0  }
0x9: {  	[smem:$0x3FAE] =	sst s1  }
0xa: {  	[smem:$0x3FAF] =	sst s2  }
0xb: {  	[smem:$0x3FB0] =	sst s3  }
0xc: {  	[smem:$0x3FB1] =	sst s4  }
0xd: {  	[smem:$0x3FB2] =	sst s5  }
0xe: {  	[smem:$0x3FB3] =	sst s6  }
0xf: {  	[smem:$0x3FB4] =	sst s7  }
0x10: {  	[smem:$0x3FB5] =	sst s8  }
0x11: {  	[smem:$0x3FB6] =	sst s9;
	s0 =	simm.s32 @!p0 $0x0  }
0x12: {  	s1 =	sld [smem:$0x3F9C];
	s0 =	simm.s32 @p0 $0x1  }
0x13: {  	[smem:$0x3FB7] =	sst s0;
	s0 =	simm.s32 @!p1 $0x0  }
0x14: {  	s2 =	sld [smem:$0x3F9B];
	s0 =	simm.s32 @p1 $0x1  }
0x15: {  	[smem:$0x3FB8] =	sst s0;
	s0 =	simm.s32 @!p2 $0x0  }
0x16: {  	s3 =	sld [smem:$0x3FDB];
	s0 =	simm.s32 @p2 $0x1  }
0x17: {  	s4 =	simm.s32 $0x1BF5;
	[smem:$0x3FBA] =	sst s0  }
0x18: {  	s0 =	sld [smem:$0x3F9D];
	_ =	swait.ge [sflag:s4], $0x0  }
0x19: {  	s7 =	sld [smem:$0x3F9E]  }
0x1a: {  	s8 =	sadd.s32 $0xFFFFE003, lr  }
0x1b: {  	s9 =	sadd.s32 $0xFFFFFEF7, lr;
	s5 =	simm.s32 $0xFFFFFFFF;
	p2 =	slt.u32 s8, $0xFFFFF086  }
0x1c: {  	p1 =	slt.u32 s9, $0xF7A;
	s5 =	simm.s32 @!p2 $0x0  }
0x1d: {  	s5 =	simm.s32 @p1 $0x1;
	p0 =	seq.s32 s7, s2  }
0x1e: {  	s7 =	smul.u32 @!p0 $0xF7A, s2;
	p2 =	seq.s32 @!p0 s5, $0x0  }
0x1f: {  	s9 =	smul.u32 $0xF7A, s1;
	s8 =	simm.s32 @!p0 $0x1BF5;
	p2 =	por !p2, p0  }
0x20: {  	[sflag:s8] =	ssyncset.s32 @!p0 $0xFFFFF086;
	s6 =	sadd.s32 @!p0 s3, s7;
	s7 =	simm.s32 @!p0 $0x108  }
0x21: {  	s3 =	sadd.s32 s3, s9;
	s6 =	sadd.s32 @!p0 $0x88, s6;
	s7 =	simm.s32 @p2 $0x1082  }
0x22: {  	[simem:s7], [sflag:s8] =	dma.local @!p0 [hbm:s6], $0xF7A  }
0x23: {  	s9 =	sor.u32 $0xD0000000, s2;
	s6 =	simm.s32 $0x108;
	_ =	swait.ge @!p0 [sflag:s8], $0x0  }
0x24: {  	s3 =	sadd.s32 $0x88, s3;
	s6 =	simm.s32 @!p1 $0x1082;
	[sflag:s4] =	ssyncset.s32 $0xFFFFF086  }
0x25: {  	[simem:s6], [sflag:s4] =	dma.local [hbm:s3], $0xF7A  }
0x26: {  	[smem:$0x3F9E] =	sst s1;
	(tag) =	ssettag s2;
	_ =	strace s9  }
0x27: {  	s1 =	sld [smem:$0x3FAE]  }
0x28: {  	s2 =	sld [smem:$0x3FAF]  }
0x29: {  	s4 =	sld [smem:$0x3FB1]  }
0x2a: {  	p0 =	seq.s32 s5, $0x0;
	s5 =	sld [smem:$0x3FB2]  }
0x2b: {  	s6 =	sld [smem:$0x3FB3]  }
0x2c: {  	s7 =	sld [smem:$0x3FB4]  }
0x2d: {  	s3 =	simm.s32 $0x108;
	s8 =	sld [smem:$0x3FB5]  }
0x2e: {  	s3 =	simm.s32 @!p0 $0x1082;
	s9 =	sld [smem:$0x3FB6]  }
0x2f: {  	lr =	sadd.s32 s0, s3;
	s0 =	sld [smem:$0x3FAD]  }
0x30: {  	s3 =	sld [smem:$0x3FB0]  }
0x31: {  	[smem:$0x3FB9] =	sst s10  }
0x32: {  	s10 =	sld [smem:$0x3FB7];
	_ =	sdelay $0x3  }
0x33: {  	p0 =	seq.s32 s10, $0x1;
	s10 =	sld [smem:$0x3FB9];
	_ =	sdelay $0x3  }
0x34: {  	[smem:$0x3FB9] =	sst s10  }
0x35: {  	s10 =	sld [smem:$0x3FB8];
	_ =	sdelay $0x3  }
0x36: {  	p1 =	seq.s32 s10, $0x1;
	s10 =	sld [smem:$0x3FB9];
	_ =	sdelay $0x3  }
0x37: {  	[smem:$0x3FB9] =	sst s10  }
0x38: {  	s10 =	sld [smem:$0x3FBA]  }
0x39: {  	_ = 	snop;
	(pc) =	sbr.ind lr, $3  }
0x3a: {  	_ = 	snop  }
0x3b: {  	_ = 	snop  }
0x3c: {  	p2 =	seq.s32 s10, $0x1;
	s10 =	sld [smem:$0x3FB9]  }
0x3d: {  	_ =	shalt  }
0x3e: {  	_ =	shalt  }
0x3f: {  	_ =	shalt  }
0x40: {  	_ =	shalt  }
0x41: {  	_ =	shalt  }
0x42: {  	_ =	shalt  }
0x43: {  	_ =	shalt  }
0x44: {  	_ =	shalt  }
0x45: {  	_ =	shalt  }
0x46: {  	_ =	shalt  }
0x47: {  	_ =	shalt  }
0x48: {  	_ =	shalt  }
0x49: {  	_ =	shalt  }
0x4a: {  	_ =	shalt  }
0x4b: {  	_ =	shalt  }
0x4c: {  	_ =	shalt  }
0x4d: {  	_ =	shalt  }
0x4e: {  	_ =	shalt  }
0x4f: {  	_ =	shalt  }
0x50: {  	_ =	shalt  }
0x51: {  	_ =	shalt  }
0x52: {  	_ =	shalt  }
0x53: {  	_ =	shalt  }
0x54: {  	_ =	shalt  }
0x55: {  	_ =	shalt  }
0x56: {  	_ =	shalt  }
0x57: {  	_ =	shalt  }
0x58: {  	_ =	shalt  }
0x59: {  	_ =	shalt  }
0x5a: {  	_ =	shalt  }
0x5b: {  	_ =	shalt  }
0x5c: {  	_ =	shalt  }
0x5d: {  	_ =	shalt  }
0x5e: {  	_ =	shalt  }
0x5f: {  	_ =	shalt  }
0x60: {  	_ =	shalt  }
0x61: {  	_ =	shalt  }
0x62: {  	_ =	shalt  }
0x63: {  	_ =	shalt  }
0x64: {  	_ =	shalt  }
0x65: {  	_ =	shalt  }
0x66: {  	_ =	shalt  }
0x67: {  	_ =	shalt  }
0x68: {  	_ =	shalt  }
0x69: {  	_ =	shalt  }
0x6a: {  	_ =	shalt  }
0x6b: {  	_ =	shalt  }
0x6c: {  	_ =	shalt  }
0x6d: {  	_ =	shalt  }
0x6e: {  	_ =	shalt  }
0x6f: {  	_ =	shalt  }
0x70: {  	_ =	shalt  }
0x71: {  	_ =	shalt  }
0x72: {  	_ =	shalt  }
0x73: {  	_ =	shalt  }
0x74: {  	_ =	shalt  }
0x75: {  	_ =	shalt  }
0x76: {  	_ =	shalt  }
0x77: {  	_ =	shalt  }
0x78: {  	_ =	shalt  }
0x79: {  	_ =	shalt  }
0x7a: {  	_ =	shalt  }
0x7b: {  	_ =	shalt  }
0x7c: {  	_ =	shalt  }
0x7d: {  	_ =	shalt  }
0x7e: {  	_ =	shalt  }
0x7f: {  	_ =	shalt  }
0x80: {  	_ =	shalt  }
0x81: {  	_ =	shalt  }
0x82: {  	_ =	shalt  }
0x83: {  	_ =	shalt  }
0x84: {  	_ =	shalt  }
0x85: {  	_ =	shalt  }
0x86: {  	_ =	shalt  }
0x87: {  	_ =	shalt  }
.Lfunc_end0:
.L_simem_size_0:
called_computation_lowered:
.L_overlay_start_0:
0x88: {  	s2 =	sld [smem:$0x3FD9]  }
0x89: {  	s3 =	sld [smem:$0x3FFE];
	_ =	sdelay $0x1  }
0x8a: {  	s1 =	srdreg.scid  }
0x8b: {  	s0 =	sand.u32 $0x1, s1  }
0x8c: {  	s18 =	sshll.u32 s0, $0xA;
	s2 =	sadd.s32 s3, s2  }
0x8d: {  	s2 =	sadd.s32 s2, s18  }
0x8e: {  	[smem:$0x3FC5] =	sst s2  }
0x8f: {  	_ = 	snop  }
0x90: {  	s2 =	sld [smem:$0x3FC9]  }
0x91: {  	s19 =	sld [smem:$0x3FC8]  }
0x92: {  	s4 =	sld [smem:$0x3FC7]  }
0x93: {  	s5 =	sld [smem:$0x3FD0];
	(tm) =	ssettm $0x1  }
0x94: {  	s6 =	sld [smem:$0x3FFB];
	_ =	sdelay $0x3  }
0x95: {  	_ =	strace s6  }
0x96: {  	s6 =	sld [smem:$0x3FFC];
	_ =	sdelay $0x3  }
0x97: {  	_ =	strace s6  }
0x98: {  	s6 =	sld [smem:$0x3FFD];
	_ =	sdelay $0x3  }
0x99: {  	_ =	strace s6  }
0x9a: {  	_ =	strace $0x8FFFFFFF  }
0x9b: {  	s20 =	sld [smem:$0x3FDB];
	_ =	sdelay $0x1  }
0x9c: {  	s7 =	simm.s32 $_scs_section_size  }
0x9d: {  	s8 =	simm.s32 $_size__tile_overlayer_lowered;
	s9 =	simm.s32 $_tile_overlayer_lowered  }
0x9e: {  	s23 =	simm.s32 $0x1BFF;
	s22 =	sshll.u32 s9, $0x1;
	s6 =	sadd.s32 s7, s20  }
0x9f: {  	s10 =	simm.s32 $0x0;
	s21 =	sshll.u32 s8, $0x1;
	s8 =	sadd.s32 s22, s6  }
0xa0: {  	[timem:s10], [sflag:s23] =	dma.local [hbm:s8], s21  }
0xa1: {  	_ =	swait.ge [sflag:s23], s21  }
0xa2: {  	s7 =	ssub.s32 $0x0, s21;
	[sflag:s23] =	ssyncset.done $0x0  }
0xa3: {  	[sflag:s23] =	ssyncadd.s32 s7;
	_ =	sdelay $0x1  }
0xa4: {  	s24 =	simm.s32 $0x1B8B  }
0xa5: {  	_ =	swait.ge [sflag:s24], $0x1  }
0xa6: {  	[sflag:s24] =	ssyncset.done $0x0  }
0xa7: {  	s25 =	simm.s32 $0x1B8E;
	[sflag:s24] =	ssyncadd.s32 $0xFFFFFFFF  }
0xa8: {  	s26 =	simm.s32 $execute0_lowered;
	[smem:$0x3FD2] =	sst s25  }
0xa9: {  	s7 =	sshll.u32 s26, $0x1;
	_ =	strace $0x80000046;
	[dreg:$0x1] =	wrdreg $0xFFFFFFFF  }
0xaa: {  	s28 =	simm.s32 $_size_execute0_lowered;
	s6 =	sadd.s32 s6, s7;
	[dreg:$0x0] =	wrdreg $0x0  }
0xab: {  	s7 =	sshll.u32 s28, $0x1;
	[dreg:$0x2] =	wrdreg s6  }
0xac: {  	[dreg:$0x3] =	wrdreg s7  }
0xad: {  	[dreg:$0x4] =	wrdreg $0xC0  }
0xae: {  	_ =	task [dreg:s10], $0x5FFFF  }
0xaf: {  	[dreg:$0x1] =	wrdreg $0xFFFFFFFF  }
0xb0: {  	[dreg:$0x0] =	wrdreg $0x60  }
0xb1: {  	[dreg:$0x2] =	wrdreg s2  }
0xb2: {  	[dreg:$0x3] =	wrdreg s19  }
0xb3: {  	[dreg:$0x4] =	wrdreg s4  }
0xb4: {  	[dreg:$0x5] =	wrdreg s5  }
0xb5: {  	[dreg:$0x6] =	wrdreg $0x9  }
0xb6: {  	_ =	task.clear_ibuf [dreg:s10], $0x7FFFF;
	_ =	strace $0x90000046  }
0xb7: {  	s29 =	simm.s32 $0x9;
	_ =	strace $0x80000048  }
0xb8: {  	_ =	swait.ge [sflag:s29], $0x1  }
0xb9: {  	[sflag:s29] =	ssyncadd.s32 $0xFFFFFFFF  }
0xba: {  	_ =	strace $0x90000048  }
0xbb: {  	_ =	sfence  }
0xbc: {  	s30 =	sld [smem:$0x0];
	_ =	sdelay $0x2  }
0xbd: {  	s31 =	sshll.u32 s1, $0xD;
	s1 =	sshrl.u32 s1, $0x2  }
0xbe: {  	s3 =	sand.u32 $0x4000, s31;
	s1 =	sadd.s32 s1, s30  }
0xbf: {  	s0 =	sor.u32 s3, s0;
	s1 =	sshll.u32 s1, $0x11  }
0xc0: {  	s0 =	sor.u32 s1, s0  }
0xc1: {  	s0 =	sadd.s32 $0x8F2B, s0  }
0xc2: {  	[sflag:s0] =	ssyncadd.remote.s32 $0x1  }
0xc3: {  	_ =	sfence.sel $0xFFFF  }
0xc4: {  	[dreg:$0x0] =	wrdreg $0xFFFFFFFF;
	(pc) =	sbr.abs _section_cstart, $3  }
0xc5: {  	[dreg:$0x1] =	wrdreg $0xFFFFFFFF  }
0xc6: {  	_ =	task.clear_ibuf [dreg:s10], $0x2FFFF;
	_ =	strace $0x9FFFFFFF  }
0xc7: {  	(tm) =	ssettm $0x7FFFFFFF  }
tec
execute0_lowered:
.L_overlay_start_1:
0x0: {  	(tag) =	ssettag $0x1  }
0x1: {  	s0 =	rddreg [dreg:$0x0]  }
0x2: {  	s1 =	rddreg [dreg:$0x1];
	s2 =	srdreg.scid  }
0x3: {  	s3 =	stileid.u32;
	s4 =	rddreg [dreg:$0x3]  }
0x4: {  	s5 =	simm.s32 $0x0;
	s12 =	simm.s32 $0xB;
	s13 =	simm.s32 $0x50  }
0x5: {  	s14 =	simm.s32 $0x1900;
	s15 =	simm.s32 $0x4100;
	s17 =	simm.s32 $0x6900  }
0x6: {  	s19 =	simm.s32 $0x9100;
	s22 =	simm.s32 $0x1;
	s23 =	simm.s32 $0xB900  }
0x7: {  	s28 =	simm.s32 $0x7;
	s29 =	simm.s32 $0x4;
	s30 =	simm.s32 $0x8  }
0x8: {  	s31 =	simm.s32 $0x5;
	s2 =	sand.u32 $0x1, s2;
	s3 =	sshll.u32 s3, $0x1  }
0x9: {  	s16 =	simm.s32 $0x0;
	s3 =	sor.u32 s2, s3;
	s2 =	ssub.s32 $0x2, s2  }
0xa: {  	[smem:$0x7FF] =	sst s5;
	s6 =	smul.u32 $0x1900, s3;
	s24 =	sshrl.u32 s2, $0x1  }
.Ltmp0:
0xb: {  	_ =	strace $0x80000047;
	s2 =	ssub.s32 s2, s24;
	(pc) =	sbr.rel .LBB2_1-.Ltmp0, $4  }
0xc: {  	s24 =	simm.s32 $0x2;
	s25 =	sshrl.u32 s6, $0x3;
	s26 =	smax.u32 s2, $0x1  }
0xd: {  	s9 =	sor.u32 $0x50, s6;
	s10 =	sor.u32 $0xA0, s6;
	s11 =	sor.u32 $0xF0, s6  }
0xe: {  	s2 =	simm.s32 $0x9;
	s0 =	sadd.s32 s0, s25;
	[dreg:$0x6] =	wrdreg s26  }
0xf: {  	s25 =	simm.s32 $0x6;
	s26 =	simm.s32 $0x3;
	[dreg:$0x5] =	wrdreg s0  }
.LBB2_14:
0x10: {  	s3 =	simm.s32 $0xA  }
0x11: {  	_ =	swait.ge [sflag:s3], $0x2800  }
0x12: {  	s16 =	sadd.s32 $0x1, s16;
	s0 =	rddreg [dreg:$0x6]  }
0x13: {  	p0 =	sne.s32 s16, s0  }
.Ltmp1:
0x14: {  	_ = 	snop;
	(pc) =	sbr.rel @!p0 .LBB2_15-.Ltmp1, $3  }
0x15: {  	_ =	sdelay $0x1  }
0x16: {  	[sflag:s3] =	ssyncset.done $0x0  }
0x17: {  	[sflag:s3] =	ssyncadd.s32 $0xFFFFD800  }
.LBB2_1:
0x18: {  	s0 =	rddreg [dreg:$0x5]  }
0x19: {  	[tilespmem:s5], [sflag:$0xB] =	stream.linear.gather [hbm4b:s0+s5], $0x1900, $0x38;
	[tilespmem:$0x1A900] =	vst v63  }
0x1a: {  	_ =	swait.ge [sflag:s12], $0x1900  }
0x1b: {  	[sflag:s12] =	ssyncset.done $0x0  }
0x1c: {  	[sflag:s12] =	ssyncadd.s32 $0xFFFFE700  }
0x1d: {  	[tilespmem:s14], [sflag:$0x1] =	stream.indirect.gather [hbm4b:s1+s13], $0x80, s5, s13, $0xb8;
	[tilespmem:$0x1A900] =	vst v63  }
0x1e: {  	_ = 	snop  }
0x1f: {  	[tilespmem:s15], [sflag:$0x2] =	stream.indirect.gather [hbm4b:s1+s13], $0x80, s13, s13, $0xb8;
	[tilespmem:$0x1A900] =	vst v63  }
0x20: {  	s8 =	simm.s32 $0xA0  }
0x21: {  	[tilespmem:s17], [sflag:$0x3] =	stream.indirect.gather [hbm4b:s1+s13], $0x80, s8, s13, $0xb8;
	[tilespmem:$0x1A900] =	vst v63  }
0x22: {  	s18 =	simm.s32 $0xF0  }
0x23: {  	[tilespmem:s19], [sflag:$0x4] =	stream.indirect.gather [hbm4b:s1+s13], $0x80, s18, s13, $0xb8;
	[tilespmem:$0x1A900] =	vst v63  }
0x24: {  	s3 =	simm.s32 $0xE100;
	s20 =	rddreg [dreg:$0x2]  }
0x25: {  	[tilespmem:s3], [sflag:$0xB] =	stream.linear.gather [hbm4b:s20+s5], $0x6400, $0x38;
	[tilespmem:$0x1A900] =	vst v63  }
0x26: {  	_ =	swait.ge [sflag:s12], $0x6400  }
0x27: {  	[sflag:s12] =	ssyncset.done $0x0  }
0x28: {  	s21 =	simm.s32 $0x14500;
	[sflag:s12] =	ssyncadd.s32 $0xFFFF9C00  }
0x29: {  	[tilespmem:s21], [sflag:$0xB] =	stream.linear.gather [hbm4b:s20+s5], $0x6400, $0x38;
	[tilespmem:$0x1A900] =	vst v63  }
0x2a: {  	_ =	swait.ge [sflag:s12], $0x6400  }
0x2b: {  	[sflag:s12] =	ssyncset.done $0x0  }
0x2c: {  	s18 =	simm.s32 $0x0;
	[sflag:s12] =	ssyncadd.s32 $0xFFFF9C00  }
.LBB2_2:
0x2d: {  	_ =	swait.ge [sflag:s22], $0x2800  }
0x2e: {  	[sflag:s22] =	ssyncset.done $0x0  }
0x2f: {  	s3 =	simm.s32 $0x0;
	[sflag:s22] =	ssyncadd.s32 $0xFFFFD800  }
0x30: {  	v0 =	vld [tilespmem:s3+$0xE4F0]  }
0x31: {  	v1 =	vld [tilespmem:s3+$0xE100]  }
0x32: {  	v2 =	vld [tilespmem:s3+$0xE110]  }
0x33: {  	v3 =	vld [tilespmem:s3+$0xE120]  }
0x34: {  	v4 =	vld [tilespmem:s3+$0xE130]  }
0x35: {  	v5 =	vld [tilespmem:s3+$0xE140]  }
0x36: {  	v6 =	vld [tilespmem:s3+$0xE150]  }
0x37: {  	v7 =	vld [tilespmem:s3+$0xE160]  }
0x38: {  	v8 =	vld [tilespmem:s3+$0xE170]  }
0x39: {  	v9 =	vld [tilespmem:s3+$0xE180]  }
0x3a: {  	v10 =	vld [tilespmem:s3+$0xE190]  }
0x3b: {  	v11 =	vld [tilespmem:s3+$0xE1A0]  }
0x3c: {  	v12 =	vld [tilespmem:s3+$0xE1B0]  }
0x3d: {  	v13 =	vld [tilespmem:s3+$0xE1C0]  }
0x3e: {  	v14 =	vld [tilespmem:s3+$0xE1D0]  }
0x3f: {  	v15 =	vld [tilespmem:s3+$0xE1E0]  }
0x40: {  	v16 =	vld [tilespmem:s3+$0xE1F0]  }
0x41: {  	v17 =	vld [tilespmem:s3+$0xE200]  }
0x42: {  	v18 =	vld [tilespmem:s3+$0xE210]  }
0x43: {  	v19 =	vld [tilespmem:s3+$0xE220]  }
0x44: {  	v20 =	vld [tilespmem:s3+$0xE230]  }
0x45: {  	v21 =	vld [tilespmem:s3+$0xE240]  }
0x46: {  	v22 =	vld [tilespmem:s3+$0xE250]  }
0x47: {  	v23 =	vld [tilespmem:s3+$0xE260]  }
0x48: {  	v24 =	vld [tilespmem:s3+$0xE270]  }
0x49: {  	v25 =	vld [tilespmem:s3+$0xE280]  }
0x4a: {  	v26 =	vld [tilespmem:s3+$0xE290]  }
0x4b: {  	v27 =	vld [tilespmem:s3+$0xE2A0]  }
0x4c: {  	v28 =	vld [tilespmem:s3+$0xE2B0]  }
0x4d: {  	v29 =	vld [tilespmem:s3+$0xE2C0]  }
0x4e: {  	v30 =	vld [tilespmem:s3+$0xE2D0]  }
0x4f: {  	v31 =	vld [tilespmem:s3+$0xE2E0]  }
0x50: {  	v32 =	vld [tilespmem:s3+$0xE2F0]  }
0x51: {  	v33 =	vld [tilespmem:s3+$0xE300]  }
0x52: {  	v34 =	vld [tilespmem:s3+$0xE310]  }
0x53: {  	v35 =	vld [tilespmem:s3+$0xE320]  }
0x54: {  	v36 =	vld [tilespmem:s3+$0xE330]  }
0x55: {  	v37 =	vld [tilespmem:s3+$0xE340]  }
0x56: {  	v38 =	vld [tilespmem:s3+$0xE350]  }
0x57: {  	v39 =	vld [tilespmem:s3+$0xE360]  }
0x58: {  	v40 =	vld [tilespmem:s3+$0xE370]  }
0x59: {  	v41 =	vld [tilespmem:s3+$0xE380]  }
0x5a: {  	v42 =	vld [tilespmem:s3+$0xE390]  }
0x5b: {  	v43 =	vld [tilespmem:s3+$0xE3A0]  }
0x5c: {  	v44 =	vld [tilespmem:s3+$0xE3B0]  }
0x5d: {  	v45 =	vld [tilespmem:s3+$0xE3C0]  }
0x5e: {  	v46 =	vld [tilespmem:s3+$0xE3D0]  }
0x5f: {  	v47 =	vld [tilespmem:s3+$0xE3E0]  }
0x60: {  	v48 =	vld [tilespmem:s3+$0xE3F0]  }
0x61: {  	v49 =	vld [tilespmem:s3+$0xE400]  }
0x62: {  	v50 =	vld [tilespmem:s3+$0xE410]  }
0x63: {  	v51 =	vld [tilespmem:s3+$0xE420]  }
0x64: {  	v52 =	vld [tilespmem:s3+$0xE430]  }
0x65: {  	v53 =	vld [tilespmem:s3+$0xE440]  }
0x66: {  	v54 =	vld [tilespmem:s3+$0xE450]  }
0x67: {  	v55 =	vld [tilespmem:s3+$0xE460]  }
0x68: {  	v56 =	vld [tilespmem:s3+$0xE470]  }
0x69: {  	v57 =	vld [tilespmem:s3+$0xE480]  }
0x6a: {  	v58 =	vld [tilespmem:s3+$0xE490]  }
0x6b: {  	v59 =	vld [tilespmem:s3+$0xE4A0]  }
0x6c: {  	v60 =	vld [tilespmem:s3+$0xE4B0]  }
0x6d: {  	v61 =	vld [tilespmem:s3+$0xE4C0]  }
0x6e: {  	v62 =	vld [tilespmem:s3+$0xE4D0]  }
0x6f: {  	[tilespmem:s3+$0x1CF0] =	vst.add.f32.msk $0xffff, v0  }
0x70: {  	v0 =	vld [tilespmem:s3+$0xE4E0]  }
0x71: {  	[tilespmem:s3+$0x1900] =	vst.add.f32.msk $0xffff, v1  }
0x72: {  	[tilespmem:s3+$0x1910] =	vst.add.f32.msk $0xffff, v2  }
0x73: {  	[tilespmem:s3+$0x1920] =	vst.add.f32.msk $0xffff, v3  }
0x74: {  	[tilespmem:s3+$0x1930] =	vst.add.f32.msk $0xffff, v4  }
0x75: {  	[tilespmem:s3+$0x1940] =	vst.add.f32.msk $0xffff, v5  }
0x76: {  	[tilespmem:s3+$0x1950] =	vst.add.f32.msk $0xffff, v6  }
0x77: {  	[tilespmem:s3+$0x1960] =	vst.add.f32.msk $0xffff, v7  }
0x78: {  	[tilespmem:s3+$0x1970] =	vst.add.f32.msk $0xffff, v8  }
0x79: {  	[tilespmem:s3+$0x1980] =	vst.add.f32.msk $0xffff, v9  }
0x7a: {  	[tilespmem:s3+$0x1990] =	vst.add.f32.msk $0xffff, v10  }
0x7b: {  	[tilespmem:s3+$0x19A0] =	vst.add.f32.msk $0xffff, v11  }
0x7c: {  	[tilespmem:s3+$0x19B0] =	vst.add.f32.msk $0xffff, v12  }
0x7d: {  	[tilespmem:s3+$0x19C0] =	vst.add.f32.msk $0xffff, v13  }
0x7e: {  	[tilespmem:s3+$0x19D0] =	vst.add.f32.msk $0xffff, v14  }
0x7f: {  	[tilespmem:s3+$0x19E0] =	vst.add.f32.msk $0xffff, v15  }
0x80: {  	[tilespmem:s3+$0x19F0] =	vst.add.f32.msk $0xffff, v16  }
0x81: {  	[tilespmem:s3+$0x1A00] =	vst.add.f32.msk $0xffff, v17  }
0x82: {  	[tilespmem:s3+$0x1A10] =	vst.add.f32.msk $0xffff, v18  }
0x83: {  	[tilespmem:s3+$0x1A20] =	vst.add.f32.msk $0xffff, v19  }
0x84: {  	[tilespmem:s3+$0x1A30] =	vst.add.f32.msk $0xffff, v20  }
0x85: {  	[tilespmem:s3+$0x1A40] =	vst.add.f32.msk $0xffff, v21  }
0x86: {  	[tilespmem:s3+$0x1A50] =	vst.add.f32.msk $0xffff, v22  }
0x87: {  	[tilespmem:s3+$0x1A60] =	vst.add.f32.msk $0xffff, v23  }
0x88: {  	[tilespmem:s3+$0x1A70] =	vst.add.f32.msk $0xffff, v24  }
0x89: {  	[tilespmem:s3+$0x1A80] =	vst.add.f32.msk $0xffff, v25  }
0x8a: {  	[tilespmem:s3+$0x1A90] =	vst.add.f32.msk $0xffff, v26  }
0x8b: {  	[tilespmem:s3+$0x1AA0] =	vst.add.f32.msk $0xffff, v27  }
0x8c: {  	[tilespmem:s3+$0x1AB0] =	vst.add.f32.msk $0xffff, v28  }
0x8d: {  	[tilespmem:s3+$0x1AC0] =	vst.add.f32.msk $0xffff, v29  }
0x8e: {  	[tilespmem:s3+$0x1AD0] =	vst.add.f32.msk $0xffff, v30  }
0x8f: {  	[tilespmem:s3+$0x1AE0] =	vst.add.f32.msk $0xffff, v31  }
0x90: {  	[tilespmem:s3+$0x1AF0] =	vst.add.f32.msk $0xffff, v32  }
0x91: {  	[tilespmem:s3+$0x1B00] =	vst.add.f32.msk $0xffff, v33  }
0x92: {  	[tilespmem:s3+$0x1B10] =	vst.add.f32.msk $0xffff, v34  }
0x93: {  	[tilespmem:s3+$0x1B20] =	vst.add.f32.msk $0xffff, v35  }
0x94: {  	[tilespmem:s3+$0x1B30] =	vst.add.f32.msk $0xffff, v36  }
0x95: {  	[tilespmem:s3+$0x1B40] =	vst.add.f32.msk $0xffff, v37  }
0x96: {  	[tilespmem:s3+$0x1B50] =	vst.add.f32.msk $0xffff, v38  }
0x97: {  	[tilespmem:s3+$0x1B60] =	vst.add.f32.msk $0xffff, v39  }
0x98: {  	[tilespmem:s3+$0x1B70] =	vst.add.f32.msk $0xffff, v40  }
0x99: {  	[tilespmem:s3+$0x1B80] =	vst.add.f32.msk $0xffff, v41  }
0x9a: {  	[tilespmem:s3+$0x1B90] =	vst.add.f32.msk $0xffff, v42  }
0x9b: {  	[tilespmem:s3+$0x1BA0] =	vst.add.f32.msk $0xffff, v43  }
0x9c: {  	[tilespmem:s3+$0x1BB0] =	vst.add.f32.msk $0xffff, v44  }
0x9d: {  	[tilespmem:s3+$0x1BC0] =	vst.add.f32.msk $0xffff, v45  }
0x9e: {  	[tilespmem:s3+$0x1BD0] =	vst.add.f32.msk $0xffff, v46  }
0x9f: {  	[tilespmem:s3+$0x1BE0] =	vst.add.f32.msk $0xffff, v47  }
0xa0: {  	[tilespmem:s3+$0x1BF0] =	vst.add.f32.msk $0xffff, v48  }
0xa1: {  	[tilespmem:s3+$0x1C00] =	vst.add.f32.msk $0xffff, v49  }
0xa2: {  	[tilespmem:s3+$0x1C10] =	vst.add.f32.msk $0xffff, v50  }
0xa3: {  	[tilespmem:s3+$0x1C20] =	vst.add.f32.msk $0xffff, v51  }
0xa4: {  	[tilespmem:s3+$0x1C30] =	vst.add.f32.msk $0xffff, v52  }
0xa5: {  	[tilespmem:s3+$0x1C40] =	vst.add.f32.msk $0xffff, v53  }
0xa6: {  	[tilespmem:s3+$0x1C50] =	vst.add.f32.msk $0xffff, v54  }
0xa7: {  	[tilespmem:s3+$0x1C60] =	vst.add.f32.msk $0xffff, v55  }
0xa8: {  	[tilespmem:s3+$0x1C70] =	vst.add.f32.msk $0xffff, v56  }
0xa9: {  	[tilespmem:s3+$0x1C80] =	vst.add.f32.msk $0xffff, v57  }
0xaa: {  	[tilespmem:s3+$0x1C90] =	vst.add.f32.msk $0xffff, v58  }
0xab: {  	[tilespmem:s3+$0x1CA0] =	vst.add.f32.msk $0xffff, v59  }
0xac: {  	[tilespmem:s3+$0x1CB0] =	vst.add.f32.msk $0xffff, v60  }
0xad: {  	[tilespmem:s3+$0x1CC0] =	vst.add.f32.msk $0xffff, v61  }
0xae: {  	s7 =	simm.s32 $0x0;
	s8 =	simm.s32 $0x1000;
	[tilespmem:s3+$0x1CD0] =	vst.add.f32.msk $0xffff, v62  }
.LBB2_3:
0xaf: {  	s7 =	sadd.s32 $0x8, s7;
	[tilespmem:s3+$0x1CE0] =	vst.add.f32.msk $0xffff, v0;
	s3 =	sshra.s32 s8, $0x2  }
0xb0: {  	v0 =	vld [tilespmem:s3+$0xE4F0];
	p0 =	slt.u32 s7, $0x48  }
0xb1: {  	v1 =	vld [tilespmem:s3+$0xE100]  }
0xb2: {  	v2 =	vld [tilespmem:s3+$0xE110]  }
0xb3: {  	v3 =	vld [tilespmem:s3+$0xE120]  }
0xb4: {  	v4 =	vld [tilespmem:s3+$0xE130]  }
0xb5: {  	[tilespmem:s3+$0x1CF0] =	vst.add.f32.msk $0xffff, v0  }
0xb6: {  	v5 =	vld [tilespmem:s3+$0xE140]  }
0xb7: {  	v6 =	vld [tilespmem:s3+$0xE150]  }
0xb8: {  	v7 =	vld [tilespmem:s3+$0xE160]  }
0xb9: {  	v8 =	vld [tilespmem:s3+$0xE170]  }
0xba: {  	v9 =	vld [tilespmem:s3+$0xE180]  }
0xbb: {  	v10 =	vld [tilespmem:s3+$0xE190]  }
0xbc: {  	v11 =	vld [tilespmem:s3+$0xE1A0]  }
0xbd: {  	v12 =	vld [tilespmem:s3+$0xE1B0]  }
0xbe: {  	v13 =	vld [tilespmem:s3+$0xE1C0]  }
0xbf: {  	v14 =	vld [tilespmem:s3+$0xE1D0]  }
0xc0: {  	v15 =	vld [tilespmem:s3+$0xE1E0]  }
0xc1: {  	v16 =	vld [tilespmem:s3+$0xE1F0]  }
0xc2: {  	v17 =	vld [tilespmem:s3+$0xE200]  }
0xc3: {  	v18 =	vld [tilespmem:s3+$0xE210]  }
0xc4: {  	v19 =	vld [tilespmem:s3+$0xE220]  }
0xc5: {  	v20 =	vld [tilespmem:s3+$0xE230]  }
0xc6: {  	v21 =	vld [tilespmem:s3+$0xE240]  }
0xc7: {  	v22 =	vld [tilespmem:s3+$0xE250]  }
0xc8: {  	v23 =	vld [tilespmem:s3+$0xE260]  }
0xc9: {  	v24 =	vld [tilespmem:s3+$0xE270]  }
0xca: {  	v25 =	vld [tilespmem:s3+$0xE280]  }
0xcb: {  	v26 =	vld [tilespmem:s3+$0xE290]  }
0xcc: {  	v27 =	vld [tilespmem:s3+$0xE2A0]  }
0xcd: {  	v28 =	vld [tilespmem:s3+$0xE2B0]  }
0xce: {  	v29 =	vld [tilespmem:s3+$0xE2C0]  }
0xcf: {  	v30 =	vld [tilespmem:s3+$0xE2D0]  }
0xd0: {  	v31 =	vld [tilespmem:s3+$0xE2E0]  }
0xd1: {  	v32 =	vld [tilespmem:s3+$0xE2F0]  }
0xd2: {  	v33 =	vld [tilespmem:s3+$0xE300]  }
0xd3: {  	v34 =	vld [tilespmem:s3+$0xE310]  }
0xd4: {  	v35 =	vld [tilespmem:s3+$0xE320]  }
0xd5: {  	v36 =	vld [tilespmem:s3+$0xE330]  }
0xd6: {  	v37 =	vld [tilespmem:s3+$0xE340]  }
0xd7: {  	v38 =	vld [tilespmem:s3+$0xE350]  }
0xd8: {  	v39 =	vld [tilespmem:s3+$0xE360]  }
0xd9: {  	v40 =	vld [tilespmem:s3+$0xE370]  }
0xda: {  	v41 =	vld [tilespmem:s3+$0xE380]  }
0xdb: {  	v42 =	vld [tilespmem:s3+$0xE390]  }
0xdc: {  	v43 =	vld [tilespmem:s3+$0xE3A0]  }
0xdd: {  	v44 =	vld [tilespmem:s3+$0xE3B0]  }
0xde: {  	v45 =	vld [tilespmem:s3+$0xE3C0]  }
0xdf: {  	v46 =	vld [tilespmem:s3+$0xE3D0]  }
0xe0: {  	v47 =	vld [tilespmem:s3+$0xE3E0]  }
0xe1: {  	v48 =	vld [tilespmem:s3+$0xE3F0]  }
0xe2: {  	v49 =	vld [tilespmem:s3+$0xE400]  }
0xe3: {  	v50 =	vld [tilespmem:s3+$0xE410]  }
0xe4: {  	v51 =	vld [tilespmem:s3+$0xE420]  }
0xe5: {  	v52 =	vld [tilespmem:s3+$0xE430]  }
0xe6: {  	v53 =	vld [tilespmem:s3+$0xE440]  }
0xe7: {  	v54 =	vld [tilespmem:s3+$0xE450]  }
0xe8: {  	v55 =	vld [tilespmem:s3+$0xE460]  }
0xe9: {  	v56 =	vld [tilespmem:s3+$0xE470]  }
0xea: {  	v57 =	vld [tilespmem:s3+$0xE480]  }
0xeb: {  	v58 =	vld [tilespmem:s3+$0xE490]  }
0xec: {  	v59 =	vld [tilespmem:s3+$0xE4A0]  }
0xed: {  	v60 =	vld [tilespmem:s3+$0xE4B0]  }
0xee: {  	v61 =	vld [tilespmem:s3+$0xE4C0]  }
0xef: {  	v62 =	vld [tilespmem:s3+$0xE4D0]  }
0xf0: {  	v0 =	vld [tilespmem:s3+$0xE4E0]  }
0xf1: {  	[tilespmem:s3+$0x1900] =	vst.add.f32.msk $0xffff, v1  }
0xf2: {  	[tilespmem:s3+$0x1910] =	vst.add.f32.msk $0xffff, v2  }
0xf3: {  	[tilespmem:s3+$0x1920] =	vst.add.f32.msk $0xffff, v3  }
0xf4: {  	[tilespmem:s3+$0x1930] =	vst.add.f32.msk $0xffff, v4  }
0xf5: {  	[tilespmem:s3+$0x1940] =	vst.add.f32.msk $0xffff, v5  }
0xf6: {  	[tilespmem:s3+$0x1950] =	vst.add.f32.msk $0xffff, v6  }
0xf7: {  	[tilespmem:s3+$0x1960] =	vst.add.f32.msk $0xffff, v7  }
0xf8: {  	[tilespmem:s3+$0x1970] =	vst.add.f32.msk $0xffff, v8  }
0xf9: {  	[tilespmem:s3+$0x1980] =	vst.add.f32.msk $0xffff, v9  }
0xfa: {  	[tilespmem:s3+$0x1990] =	vst.add.f32.msk $0xffff, v10  }
0xfb: {  	[tilespmem:s3+$0x19A0] =	vst.add.f32.msk $0xffff, v11  }
0xfc: {  	[tilespmem:s3+$0x19B0] =	vst.add.f32.msk $0xffff, v12  }
0xfd: {  	[tilespmem:s3+$0x19C0] =	vst.add.f32.msk $0xffff, v13  }
0xfe: {  	[tilespmem:s3+$0x19D0] =	vst.add.f32.msk $0xffff, v14  }
0xff: {  	[tilespmem:s3+$0x19E0] =	vst.add.f32.msk $0xffff, v15  }
0x100: {  	[tilespmem:s3+$0x19F0] =	vst.add.f32.msk $0xffff, v16  }
0x101: {  	[tilespmem:s3+$0x1A00] =	vst.add.f32.msk $0xffff, v17  }
0x102: {  	[tilespmem:s3+$0x1A10] =	vst.add.f32.msk $0xffff, v18  }
0x103: {  	[tilespmem:s3+$0x1A20] =	vst.add.f32.msk $0xffff, v19  }
0x104: {  	[tilespmem:s3+$0x1A30] =	vst.add.f32.msk $0xffff, v20  }
0x105: {  	[tilespmem:s3+$0x1A40] =	vst.add.f32.msk $0xffff, v21  }
0x106: {  	[tilespmem:s3+$0x1A50] =	vst.add.f32.msk $0xffff, v22  }
0x107: {  	[tilespmem:s3+$0x1A60] =	vst.add.f32.msk $0xffff, v23  }
0x108: {  	[tilespmem:s3+$0x1A70] =	vst.add.f32.msk $0xffff, v24  }
0x109: {  	[tilespmem:s3+$0x1A80] =	vst.add.f32.msk $0xffff, v25  }
0x10a: {  	[tilespmem:s3+$0x1A90] =	vst.add.f32.msk $0xffff, v26  }
0x10b: {  	[tilespmem:s3+$0x1AA0] =	vst.add.f32.msk $0xffff, v27  }
0x10c: {  	[tilespmem:s3+$0x1AB0] =	vst.add.f32.msk $0xffff, v28  }
0x10d: {  	[tilespmem:s3+$0x1AC0] =	vst.add.f32.msk $0xffff, v29  }
0x10e: {  	[tilespmem:s3+$0x1AD0] =	vst.add.f32.msk $0xffff, v30  }
0x10f: {  	[tilespmem:s3+$0x1AE0] =	vst.add.f32.msk $0xffff, v31  }
0x110: {  	[tilespmem:s3+$0x1AF0] =	vst.add.f32.msk $0xffff, v32  }
0x111: {  	[tilespmem:s3+$0x1B00] =	vst.add.f32.msk $0xffff, v33  }
0x112: {  	[tilespmem:s3+$0x1B10] =	vst.add.f32.msk $0xffff, v34  }
0x113: {  	[tilespmem:s3+$0x1B20] =	vst.add.f32.msk $0xffff, v35  }
0x114: {  	[tilespmem:s3+$0x1B30] =	vst.add.f32.msk $0xffff, v36  }
0x115: {  	[tilespmem:s3+$0x1B40] =	vst.add.f32.msk $0xffff, v37  }
0x116: {  	[tilespmem:s3+$0x1B50] =	vst.add.f32.msk $0xffff, v38  }
0x117: {  	[tilespmem:s3+$0x1B60] =	vst.add.f32.msk $0xffff, v39  }
0x118: {  	[tilespmem:s3+$0x1B70] =	vst.add.f32.msk $0xffff, v40  }
0x119: {  	[tilespmem:s3+$0x1B80] =	vst.add.f32.msk $0xffff, v41  }
0x11a: {  	[tilespmem:s3+$0x1B90] =	vst.add.f32.msk $0xffff, v42  }
0x11b: {  	[tilespmem:s3+$0x1BA0] =	vst.add.f32.msk $0xffff, v43  }
0x11c: {  	[tilespmem:s3+$0x1BB0] =	vst.add.f32.msk $0xffff, v44  }
0x11d: {  	[tilespmem:s3+$0x1BC0] =	vst.add.f32.msk $0xffff, v45  }
0x11e: {  	[tilespmem:s3+$0x1BD0] =	vst.add.f32.msk $0xffff, v46  }
0x11f: {  	[tilespmem:s3+$0x1BE0] =	vst.add.f32.msk $0xffff, v47  }
0x120: {  	[tilespmem:s3+$0x1BF0] =	vst.add.f32.msk $0xffff, v48  }
0x121: {  	[tilespmem:s3+$0x1C00] =	vst.add.f32.msk $0xffff, v49  }
0x122: {  	[tilespmem:s3+$0x1C10] =	vst.add.f32.msk $0xffff, v50  }
0x123: {  	[tilespmem:s3+$0x1C20] =	vst.add.f32.msk $0xffff, v51  }
0x124: {  	[tilespmem:s3+$0x1C30] =	vst.add.f32.msk $0xffff, v52  }
0x125: {  	[tilespmem:s3+$0x1C40] =	vst.add.f32.msk $0xffff, v53  }
0x126: {  	[tilespmem:s3+$0x1C50] =	vst.add.f32.msk $0xffff, v54  }
0x127: {  	[tilespmem:s3+$0x1C60] =	vst.add.f32.msk $0xffff, v55  }
0x128: {  	[tilespmem:s3+$0x1C70] =	vst.add.f32.msk $0xffff, v56  }
0x129: {  	[tilespmem:s3+$0x1C80] =	vst.add.f32.msk $0xffff, v57  }
.Ltmp2:
0x12a: {  	[tilespmem:s3+$0x1C90] =	vst.add.f32.msk $0xffff, v58;
	(pc) =	sbr.rel @p0 .LBB2_3-.Ltmp2, $4  }
0x12b: {  	[tilespmem:s3+$0x1CA0] =	vst.add.f32.msk $0xffff, v59  }
0x12c: {  	[tilespmem:s3+$0x1CB0] =	vst.add.f32.msk $0xffff, v60  }
0x12d: {  	[tilespmem:s3+$0x1CC0] =	vst.add.f32.msk $0xffff, v61  }
0x12e: {  	s8 =	sadd.s32 $0x1000, s8;
	[tilespmem:s3+$0x1CD0] =	vst.add.f32.msk $0xffff, v62  }
0x12f: {  	s21 =	smul.u32 $0x190, s18;
	_ =	sdelay $0x1  }
0x130: {  	s0 =	sadd.s32 s6, s21  }
0x131: {  	s0 =	sshll.u32 s0, $0x4  }
0x132: {  	[tilespmem:s3+$0x1CE0] =	vst.add.f32.msk $0xffff, v0;
	s7 =	smul.u32 $0x5, s18;
	p0 =	seq.s32 s18, $0x0;
	s0 =	sadd.s32 s4, s0  }
0x133: {  	[hbm4b:s0+s5] =	stream.linear.scatter [tilespmem:s14], [sflag:$0x6], $0x2800, $0x38;
	[tilespmem:$0x1A900] =	vst v63  }
0x134: {  	s20 =	sadd.s32 $0x4, s7;
	s0 =	simm.s32 @!p0 $0xA  }
0x135: {  	s3 =	smul.u32 $0x140, s20;
	_ =	swait.ge @!p0 [sflag:s0], $0x2800  }
0x136: {  	[sflag:s0] =	ssyncset.done @!p0 $0x0  }
0x137: {  	s8 =	sshra.s32 s3, $0x2;
	[sflag:s0] =	ssyncadd.s32 @!p0 $0xFFFFD800  }
0x138: {  	[tilespmem:s23], [sflag:$0x5] =	stream.indirect.gather [hbm4b:s1+s13], $0x80, s8, s13, $0xb8;
	[tilespmem:$0x1A900] =	vst v63  }
0x139: {  	_ =	swait.ge [sflag:s24], $0x2800  }
0x13a: {  	[sflag:s24] =	ssyncset.done $0x0  }
0x13b: {  	s3 =	simm.s32 $0x0;
	[sflag:s24] =	ssyncadd.s32 $0xFFFFD800  }
0x13c: {  	v0 =	vld [tilespmem:s3+$0x10CF0]  }
0x13d: {  	v1 =	vld [tilespmem:s3+$0x10900]  }
0x13e: {  	v2 =	vld [tilespmem:s3+$0x10910]  }
0x13f: {  	v3 =	vld [tilespmem:s3+$0x10920]  }
0x140: {  	v4 =	vld [tilespmem:s3+$0x10930]  }
0x141: {  	v5 =	vld [tilespmem:s3+$0x10940]  }
0x142: {  	v6 =	vld [tilespmem:s3+$0x10950]  }
0x143: {  	v7 =	vld [tilespmem:s3+$0x10960]  }
0x144: {  	v8 =	vld [tilespmem:s3+$0x10970]  }
0x145: {  	v9 =	vld [tilespmem:s3+$0x10980]  }
0x146: {  	v10 =	vld [tilespmem:s3+$0x10990]  }
0x147: {  	v11 =	vld [tilespmem:s3+$0x109A0]  }
0x148: {  	v12 =	vld [tilespmem:s3+$0x109B0]  }
0x149: {  	v13 =	vld [tilespmem:s3+$0x109C0]  }
0x14a: {  	v14 =	vld [tilespmem:s3+$0x109D0]  }
0x14b: {  	v15 =	vld [tilespmem:s3+$0x109E0]  }
0x14c: {  	v16 =	vld [tilespmem:s3+$0x109F0]  }
0x14d: {  	v17 =	vld [tilespmem:s3+$0x10A00]  }
0x14e: {  	v18 =	vld [tilespmem:s3+$0x10A10]  }
0x14f: {  	v19 =	vld [tilespmem:s3+$0x10A20]  }
0x150: {  	v20 =	vld [tilespmem:s3+$0x10A30]  }
0x151: {  	v21 =	vld [tilespmem:s3+$0x10A40]  }
0x152: {  	v22 =	vld [tilespmem:s3+$0x10A50]  }
0x153: {  	v23 =	vld [tilespmem:s3+$0x10A60]  }
0x154: {  	v24 =	vld [tilespmem:s3+$0x10A70]  }
0x155: {  	v25 =	vld [tilespmem:s3+$0x10A80]  }
0x156: {  	v26 =	vld [tilespmem:s3+$0x10A90]  }
0x157: {  	v27 =	vld [tilespmem:s3+$0x10AA0]  }
0x158: {  	v28 =	vld [tilespmem:s3+$0x10AB0]  }
0x159: {  	v29 =	vld [tilespmem:s3+$0x10AC0]  }
0x15a: {  	v30 =	vld [tilespmem:s3+$0x10AD0]  }
0x15b: {  	v31 =	vld [tilespmem:s3+$0x10AE0]  }
0x15c: {  	v32 =	vld [tilespmem:s3+$0x10AF0]  }
0x15d: {  	v33 =	vld [tilespmem:s3+$0x10B00]  }
0x15e: {  	v34 =	vld [tilespmem:s3+$0x10B10]  }
0x15f: {  	v35 =	vld [tilespmem:s3+$0x10B20]  }
0x160: {  	v36 =	vld [tilespmem:s3+$0x10B30]  }
0x161: {  	v37 =	vld [tilespmem:s3+$0x10B40]  }
0x162: {  	v38 =	vld [tilespmem:s3+$0x10B50]  }
0x163: {  	v39 =	vld [tilespmem:s3+$0x10B60]  }
0x164: {  	v40 =	vld [tilespmem:s3+$0x10B70]  }
0x165: {  	v41 =	vld [tilespmem:s3+$0x10B80]  }
0x166: {  	v42 =	vld [tilespmem:s3+$0x10B90]  }
0x167: {  	v43 =	vld [tilespmem:s3+$0x10BA0]  }
0x168: {  	v44 =	vld [tilespmem:s3+$0x10BB0]  }
0x169: {  	v45 =	vld [tilespmem:s3+$0x10BC0]  }
0x16a: {  	v46 =	vld [tilespmem:s3+$0x10BD0]  }
0x16b: {  	v47 =	vld [tilespmem:s3+$0x10BE0]  }
0x16c: {  	v48 =	vld [tilespmem:s3+$0x10BF0]  }
0x16d: {  	v49 =	vld [tilespmem:s3+$0x10C00]  }
0x16e: {  	v50 =	vld [tilespmem:s3+$0x10C10]  }
0x16f: {  	v51 =	vld [tilespmem:s3+$0x10C20]  }
0x170: {  	v52 =	vld [tilespmem:s3+$0x10C30]  }
0x171: {  	v53 =	vld [tilespmem:s3+$0x10C40]  }
0x172: {  	v54 =	vld [tilespmem:s3+$0x10C50]  }
0x173: {  	v55 =	vld [tilespmem:s3+$0x10C60]  }
0x174: {  	v56 =	vld [tilespmem:s3+$0x10C70]  }
0x175: {  	v57 =	vld [tilespmem:s3+$0x10C80]  }
0x176: {  	v58 =	vld [tilespmem:s3+$0x10C90]  }
0x177: {  	v59 =	vld [tilespmem:s3+$0x10CA0]  }
0x178: {  	v60 =	vld [tilespmem:s3+$0x10CB0]  }
0x179: {  	v61 =	vld [tilespmem:s3+$0x10CC0]  }
0x17a: {  	v62 =	vld [tilespmem:s3+$0x10CD0]  }
0x17b: {  	[tilespmem:s3+$0x44F0] =	vst.add.f32.msk $0xffff, v0  }
0x17c: {  	v0 =	vld [tilespmem:s3+$0x10CE0]  }
0x17d: {  	[tilespmem:s3+$0x4100] =	vst.add.f32.msk $0xffff, v1  }
0x17e: {  	[tilespmem:s3+$0x4110] =	vst.add.f32.msk $0xffff, v2  }
0x17f: {  	[tilespmem:s3+$0x4120] =	vst.add.f32.msk $0xffff, v3  }
0x180: {  	[tilespmem:s3+$0x4130] =	vst.add.f32.msk $0xffff, v4  }
0x181: {  	[tilespmem:s3+$0x4140] =	vst.add.f32.msk $0xffff, v5  }
0x182: {  	[tilespmem:s3+$0x4150] =	vst.add.f32.msk $0xffff, v6  }
0x183: {  	[tilespmem:s3+$0x4160] =	vst.add.f32.msk $0xffff, v7  }
0x184: {  	[tilespmem:s3+$0x4170] =	vst.add.f32.msk $0xffff, v8  }
0x185: {  	[tilespmem:s3+$0x4180] =	vst.add.f32.msk $0xffff, v9  }
0x186: {  	[tilespmem:s3+$0x4190] =	vst.add.f32.msk $0xffff, v10  }
0x187: {  	[tilespmem:s3+$0x41A0] =	vst.add.f32.msk $0xffff, v11  }
0x188: {  	[tilespmem:s3+$0x41B0] =	vst.add.f32.msk $0xffff, v12  }
0x189: {  	[tilespmem:s3+$0x41C0] =	vst.add.f32.msk $0xffff, v13  }
0x18a: {  	[tilespmem:s3+$0x41D0] =	vst.add.f32.msk $0xffff, v14  }
0x18b: {  	[tilespmem:s3+$0x41E0] =	vst.add.f32.msk $0xffff, v15  }
0x18c: {  	[tilespmem:s3+$0x41F0] =	vst.add.f32.msk $0xffff, v16  }
0x18d: {  	[tilespmem:s3+$0x4200] =	vst.add.f32.msk $0xffff, v17  }
0x18e: {  	[tilespmem:s3+$0x4210] =	vst.add.f32.msk $0xffff, v18  }
0x18f: {  	[tilespmem:s3+$0x4220] =	vst.add.f32.msk $0xffff, v19  }
0x190: {  	[tilespmem:s3+$0x4230] =	vst.add.f32.msk $0xffff, v20  }
0x191: {  	[tilespmem:s3+$0x4240] =	vst.add.f32.msk $0xffff, v21  }
0x192: {  	[tilespmem:s3+$0x4250] =	vst.add.f32.msk $0xffff, v22  }
0x193: {  	[tilespmem:s3+$0x4260] =	vst.add.f32.msk $0xffff, v23  }
0x194: {  	[tilespmem:s3+$0x4270] =	vst.add.f32.msk $0xffff, v24  }
0x195: {  	[tilespmem:s3+$0x4280] =	vst.add.f32.msk $0xffff, v25  }
0x196: {  	[tilespmem:s3+$0x4290] =	vst.add.f32.msk $0xffff, v26  }
0x197: {  	[tilespmem:s3+$0x42A0] =	vst.add.f32.msk $0xffff, v27  }
0x198: {  	[tilespmem:s3+$0x42B0] =	vst.add.f32.msk $0xffff, v28  }
0x199: {  	[tilespmem:s3+$0x42C0] =	vst.add.f32.msk $0xffff, v29  }
0x19a: {  	[tilespmem:s3+$0x42D0] =	vst.add.f32.msk $0xffff, v30  }
0x19b: {  	[tilespmem:s3+$0x42E0] =	vst.add.f32.msk $0xffff, v31  }
0x19c: {  	[tilespmem:s3+$0x42F0] =	vst.add.f32.msk $0xffff, v32  }
0x19d: {  	[tilespmem:s3+$0x4300] =	vst.add.f32.msk $0xffff, v33  }
0x19e: {  	[tilespmem:s3+$0x4310] =	vst.add.f32.msk $0xffff, v34  }
0x19f: {  	[tilespmem:s3+$0x4320] =	vst.add.f32.msk $0xffff, v35  }
0x1a0: {  	[tilespmem:s3+$0x4330] =	vst.add.f32.msk $0xffff, v36  }
0x1a1: {  	[tilespmem:s3+$0x4340] =	vst.add.f32.msk $0xffff, v37  }
0x1a2: {  	[tilespmem:s3+$0x4350] =	vst.add.f32.msk $0xffff, v38  }
0x1a3: {  	[tilespmem:s3+$0x4360] =	vst.add.f32.msk $0xffff, v39  }
0x1a4: {  	[tilespmem:s3+$0x4370] =	vst.add.f32.msk $0xffff, v40  }
0x1a5: {  	[tilespmem:s3+$0x4380] =	vst.add.f32.msk $0xffff, v41  }
0x1a6: {  	[tilespmem:s3+$0x4390] =	vst.add.f32.msk $0xffff, v42  }
0x1a7: {  	[tilespmem:s3+$0x43A0] =	vst.add.f32.msk $0xffff, v43  }
0x1a8: {  	[tilespmem:s3+$0x43B0] =	vst.add.f32.msk $0xffff, v44  }
0x1a9: {  	[tilespmem:s3+$0x43C0] =	vst.add.f32.msk $0xffff, v45  }
0x1aa: {  	[tilespmem:s3+$0x43D0] =	vst.add.f32.msk $0xffff, v46  }
0x1ab: {  	[tilespmem:s3+$0x43E0] =	vst.add.f32.msk $0xffff, v47  }
0x1ac: {  	[tilespmem:s3+$0x43F0] =	vst.add.f32.msk $0xffff, v48  }
0x1ad: {  	[tilespmem:s3+$0x4400] =	vst.add.f32.msk $0xffff, v49  }
0x1ae: {  	[tilespmem:s3+$0x4410] =	vst.add.f32.msk $0xffff, v50  }
0x1af: {  	[tilespmem:s3+$0x4420] =	vst.add.f32.msk $0xffff, v51  }
0x1b0: {  	[tilespmem:s3+$0x4430] =	vst.add.f32.msk $0xffff, v52  }
0x1b1: {  	[tilespmem:s3+$0x4440] =	vst.add.f32.msk $0xffff, v53  }
0x1b2: {  	[tilespmem:s3+$0x4450] =	vst.add.f32.msk $0xffff, v54  }
0x1b3: {  	[tilespmem:s3+$0x4460] =	vst.add.f32.msk $0xffff, v55  }
0x1b4: {  	[tilespmem:s3+$0x4470] =	vst.add.f32.msk $0xffff, v56  }
0x1b5: {  	[tilespmem:s3+$0x4480] =	vst.add.f32.msk $0xffff, v57  }
0x1b6: {  	[tilespmem:s3+$0x4490] =	vst.add.f32.msk $0xffff, v58  }
0x1b7: {  	[tilespmem:s3+$0x44A0] =	vst.add.f32.msk $0xffff, v59  }
0x1b8: {  	[tilespmem:s3+$0x44B0] =	vst.add.f32.msk $0xffff, v60  }
0x1b9: {  	[tilespmem:s3+$0x44C0] =	vst.add.f32.msk $0xffff, v61  }
0x1ba: {  	s7 =	simm.s32 $0x0;
	s8 =	simm.s32 $0x1000;
	[tilespmem:s3+$0x44D0] =	vst.add.f32.msk $0xffff, v62  }
.LBB2_5:
0x1bb: {  	s7 =	sadd.s32 $0x8, s7;
	[tilespmem:s3+$0x44E0] =	vst.add.f32.msk $0xffff, v0;
	s3 =	sshra.s32 s8, $0x2  }
0x1bc: {  	v0 =	vld [tilespmem:s3+$0x10CF0];
	p0 =	slt.u32 s7, $0x48  }
0x1bd: {  	v1 =	vld [tilespmem:s3+$0x10900]  }
0x1be: {  	v2 =	vld [tilespmem:s3+$0x10910]  }
0x1bf: {  	v3 =	vld [tilespmem:s3+$0x10920]  }
0x1c0: {  	v4 =	vld [tilespmem:s3+$0x10930]  }
0x1c1: {  	[tilespmem:s3+$0x44F0] =	vst.add.f32.msk $0xffff, v0  }
0x1c2: {  	v5 =	vld [tilespmem:s3+$0x10940]  }
0x1c3: {  	v6 =	vld [tilespmem:s3+$0x10950]  }
0x1c4: {  	v7 =	vld [tilespmem:s3+$0x10960]  }
0x1c5: {  	v8 =	vld [tilespmem:s3+$0x10970]  }
0x1c6: {  	v9 =	vld [tilespmem:s3+$0x10980]  }
0x1c7: {  	v10 =	vld [tilespmem:s3+$0x10990]  }
0x1c8: {  	v11 =	vld [tilespmem:s3+$0x109A0]  }
0x1c9: {  	v12 =	vld [tilespmem:s3+$0x109B0]  }
0x1ca: {  	v13 =	vld [tilespmem:s3+$0x109C0]  }
0x1cb: {  	v14 =	vld [tilespmem:s3+$0x109D0]  }
0x1cc: {  	v15 =	vld [tilespmem:s3+$0x109E0]  }
0x1cd: {  	v16 =	vld [tilespmem:s3+$0x109F0]  }
0x1ce: {  	v17 =	vld [tilespmem:s3+$0x10A00]  }
0x1cf: {  	v18 =	vld [tilespmem:s3+$0x10A10]  }
0x1d0: {  	v19 =	vld [tilespmem:s3+$0x10A20]  }
0x1d1: {  	v20 =	vld [tilespmem:s3+$0x10A30]  }
0x1d2: {  	v21 =	vld [tilespmem:s3+$0x10A40]  }
0x1d3: {  	v22 =	vld [tilespmem:s3+$0x10A50]  }
0x1d4: {  	v23 =	vld [tilespmem:s3+$0x10A60]  }
0x1d5: {  	v24 =	vld [tilespmem:s3+$0x10A70]  }
0x1d6: {  	v25 =	vld [tilespmem:s3+$0x10A80]  }
0x1d7: {  	v26 =	vld [tilespmem:s3+$0x10A90]  }
0x1d8: {  	v27 =	vld [tilespmem:s3+$0x10AA0]  }
0x1d9: {  	v28 =	vld [tilespmem:s3+$0x10AB0]  }
0x1da: {  	v29 =	vld [tilespmem:s3+$0x10AC0]  }
0x1db: {  	v30 =	vld [tilespmem:s3+$0x10AD0]  }
0x1dc: {  	v31 =	vld [tilespmem:s3+$0x10AE0]  }
0x1dd: {  	v32 =	vld [tilespmem:s3+$0x10AF0]  }
0x1de: {  	v33 =	vld [tilespmem:s3+$0x10B00]  }
0x1df: {  	v34 =	vld [tilespmem:s3+$0x10B10]  }
0x1e0: {  	v35 =	vld [tilespmem:s3+$0x10B20]  }
0x1e1: {  	v36 =	vld [tilespmem:s3+$0x10B30]  }
0x1e2: {  	v37 =	vld [tilespmem:s3+$0x10B40]  }
0x1e3: {  	v38 =	vld [tilespmem:s3+$0x10B50]  }
0x1e4: {  	v39 =	vld [tilespmem:s3+$0x10B60]  }
0x1e5: {  	v40 =	vld [tilespmem:s3+$0x10B70]  }
0x1e6: {  	v41 =	vld [tilespmem:s3+$0x10B80]  }
0x1e7: {  	v42 =	vld [tilespmem:s3+$0x10B90]  }
0x1e8: {  	v43 =	vld [tilespmem:s3+$0x10BA0]  }
0x1e9: {  	v44 =	vld [tilespmem:s3+$0x10BB0]  }
0x1ea: {  	v45 =	vld [tilespmem:s3+$0x10BC0]  }
0x1eb: {  	v46 =	vld [tilespmem:s3+$0x10BD0]  }
0x1ec: {  	v47 =	vld [tilespmem:s3+$0x10BE0]  }
0x1ed: {  	v48 =	vld [tilespmem:s3+$0x10BF0]  }
0x1ee: {  	v49 =	vld [tilespmem:s3+$0x10C00]  }
0x1ef: {  	v50 =	vld [tilespmem:s3+$0x10C10]  }
0x1f0: {  	v51 =	vld [tilespmem:s3+$0x10C20]  }
0x1f1: {  	v52 =	vld [tilespmem:s3+$0x10C30]  }
0x1f2: {  	v53 =	vld [tilespmem:s3+$0x10C40]  }
0x1f3: {  	v54 =	vld [tilespmem:s3+$0x10C50]  }
0x1f4: {  	v55 =	vld [tilespmem:s3+$0x10C60]  }
0x1f5: {  	v56 =	vld [tilespmem:s3+$0x10C70]  }
0x1f6: {  	v57 =	vld [tilespmem:s3+$0x10C80]  }
0x1f7: {  	v58 =	vld [tilespmem:s3+$0x10C90]  }
0x1f8: {  	v59 =	vld [tilespmem:s3+$0x10CA0]  }
0x1f9: {  	v60 =	vld [tilespmem:s3+$0x10CB0]  }
0x1fa: {  	v61 =	vld [tilespmem:s3+$0x10CC0]  }
0x1fb: {  	v62 =	vld [tilespmem:s3+$0x10CD0]  }
0x1fc: {  	v0 =	vld [tilespmem:s3+$0x10CE0]  }
0x1fd: {  	[tilespmem:s3+$0x4100] =	vst.add.f32.msk $0xffff, v1  }
0x1fe: {  	[tilespmem:s3+$0x4110] =	vst.add.f32.msk $0xffff, v2  }
0x1ff: {  	[tilespmem:s3+$0x4120] =	vst.add.f32.msk $0xffff, v3  }
0x200: {  	[tilespmem:s3+$0x4130] =	vst.add.f32.msk $0xffff, v4  }
0x201: {  	[tilespmem:s3+$0x4140] =	vst.add.f32.msk $0xffff, v5  }
0x202: {  	[tilespmem:s3+$0x4150] =	vst.add.f32.msk $0xffff, v6  }
0x203: {  	[tilespmem:s3+$0x4160] =	vst.add.f32.msk $0xffff, v7  }
0x204: {  	[tilespmem:s3+$0x4170] =	vst.add.f32.msk $0xffff, v8  }
0x205: {  	[tilespmem:s3+$0x4180] =	vst.add.f32.msk $0xffff, v9  }
0x206: {  	[tilespmem:s3+$0x4190] =	vst.add.f32.msk $0xffff, v10  }
0x207: {  	[tilespmem:s3+$0x41A0] =	vst.add.f32.msk $0xffff, v11  }
0x208: {  	[tilespmem:s3+$0x41B0] =	vst.add.f32.msk $0xffff, v12  }
0x209: {  	[tilespmem:s3+$0x41C0] =	vst.add.f32.msk $0xffff, v13  }
0x20a: {  	[tilespmem:s3+$0x41D0] =	vst.add.f32.msk $0xffff, v14  }
0x20b: {  	[tilespmem:s3+$0x41E0] =	vst.add.f32.msk $0xffff, v15  }
0x20c: {  	[tilespmem:s3+$0x41F0] =	vst.add.f32.msk $0xffff, v16  }
0x20d: {  	[tilespmem:s3+$0x4200] =	vst.add.f32.msk $0xffff, v17  }
0x20e: {  	[tilespmem:s3+$0x4210] =	vst.add.f32.msk $0xffff, v18  }
0x20f: {  	[tilespmem:s3+$0x4220] =	vst.add.f32.msk $0xffff, v19  }
0x210: {  	[tilespmem:s3+$0x4230] =	vst.add.f32.msk $0xffff, v20  }
0x211: {  	[tilespmem:s3+$0x4240] =	vst.add.f32.msk $0xffff, v21  }
0x212: {  	[tilespmem:s3+$0x4250] =	vst.add.f32.msk $0xffff, v22  }
0x213: {  	[tilespmem:s3+$0x4260] =	vst.add.f32.msk $0xffff, v23  }
0x214: {  	[tilespmem:s3+$0x4270] =	vst.add.f32.msk $0xffff, v24  }
0x215: {  	[tilespmem:s3+$0x4280] =	vst.add.f32.msk $0xffff, v25  }
0x216: {  	[tilespmem:s3+$0x4290] =	vst.add.f32.msk $0xffff, v26  }
0x217: {  	[tilespmem:s3+$0x42A0] =	vst.add.f32.msk $0xffff, v27  }
0x218: {  	[tilespmem:s3+$0x42B0] =	vst.add.f32.msk $0xffff, v28  }
0x219: {  	[tilespmem:s3+$0x42C0] =	vst.add.f32.msk $0xffff, v29  }
0x21a: {  	[tilespmem:s3+$0x42D0] =	vst.add.f32.msk $0xffff, v30  }
0x21b: {  	[tilespmem:s3+$0x42E0] =	vst.add.f32.msk $0xffff, v31  }
0x21c: {  	[tilespmem:s3+$0x42F0] =	vst.add.f32.msk $0xffff, v32  }
0x21d: {  	[tilespmem:s3+$0x4300] =	vst.add.f32.msk $0xffff, v33  }
0x21e: {  	[tilespmem:s3+$0x4310] =	vst.add.f32.msk $0xffff, v34  }
0x21f: {  	[tilespmem:s3+$0x4320] =	vst.add.f32.msk $0xffff, v35  }
0x220: {  	[tilespmem:s3+$0x4330] =	vst.add.f32.msk $0xffff, v36  }
0x221: {  	[tilespmem:s3+$0x4340] =	vst.add.f32.msk $0xffff, v37  }
0x222: {  	[tilespmem:s3+$0x4350] =	vst.add.f32.msk $0xffff, v38  }
0x223: {  	[tilespmem:s3+$0x4360] =	vst.add.f32.msk $0xffff, v39  }
0x224: {  	[tilespmem:s3+$0x4370] =	vst.add.f32.msk $0xffff, v40  }
0x225: {  	[tilespmem:s3+$0x4380] =	vst.add.f32.msk $0xffff, v41  }
0x226: {  	[tilespmem:s3+$0x4390] =	vst.add.f32.msk $0xffff, v42  }
0x227: {  	[tilespmem:s3+$0x43A0] =	vst.add.f32.msk $0xffff, v43  }
0x228: {  	[tilespmem:s3+$0x43B0] =	vst.add.f32.msk $0xffff, v44  }
0x229: {  	[tilespmem:s3+$0x43C0] =	vst.add.f32.msk $0xffff, v45  }
0x22a: {  	[tilespmem:s3+$0x43D0] =	vst.add.f32.msk $0xffff, v46  }
0x22b: {  	[tilespmem:s3+$0x43E0] =	vst.add.f32.msk $0xffff, v47  }
0x22c: {  	[tilespmem:s3+$0x43F0] =	vst.add.f32.msk $0xffff, v48  }
0x22d: {  	[tilespmem:s3+$0x4400] =	vst.add.f32.msk $0xffff, v49  }
0x22e: {  	[tilespmem:s3+$0x4410] =	vst.add.f32.msk $0xffff, v50  }
0x22f: {  	[tilespmem:s3+$0x4420] =	vst.add.f32.msk $0xffff, v51  }
0x230: {  	[tilespmem:s3+$0x4430] =	vst.add.f32.msk $0xffff, v52  }
0x231: {  	[tilespmem:s3+$0x4440] =	vst.add.f32.msk $0xffff, v53  }
0x232: {  	[tilespmem:s3+$0x4450] =	vst.add.f32.msk $0xffff, v54  }
0x233: {  	[tilespmem:s3+$0x4460] =	vst.add.f32.msk $0xffff, v55  }
0x234: {  	[tilespmem:s3+$0x4470] =	vst.add.f32.msk $0xffff, v56  }
0x235: {  	[tilespmem:s3+$0x4480] =	vst.add.f32.msk $0xffff, v57  }
.Ltmp3:
0x236: {  	[tilespmem:s3+$0x4490] =	vst.add.f32.msk $0xffff, v58;
	(pc) =	sbr.rel @p0 .LBB2_5-.Ltmp3, $4  }
0x237: {  	[tilespmem:s3+$0x44A0] =	vst.add.f32.msk $0xffff, v59  }
0x238: {  	[tilespmem:s3+$0x44B0] =	vst.add.f32.msk $0xffff, v60  }
0x239: {  	[tilespmem:s3+$0x44C0] =	vst.add.f32.msk $0xffff, v61  }
0x23a: {  	s8 =	sadd.s32 $0x1000, s8;
	[tilespmem:s3+$0x44D0] =	vst.add.f32.msk $0xffff, v62  }
0x23b: {  	s0 =	sadd.s32 s9, s21  }
0x23c: {  	s0 =	sshll.u32 s0, $0x4  }
0x23d: {  	[tilespmem:s3+$0x44E0] =	vst.add.f32.msk $0xffff, v0;
	p0 =	seq.s32 s18, $0xF;
	s0 =	sadd.s32 s4, s0  }
0x23e: {  	[hbm4b:s0+s5] =	stream.linear.scatter [tilespmem:s15], [sflag:$0x7], $0x2800, $0x38;
	[tilespmem:$0x1A900] =	vst v63  }
0x23f: {  	s0 =	smul.u32 @!p0 $0x640, s18  }
0x240: {  	_ =	swait.ge [sflag:s25], $0x2800  }
0x241: {  	s7 =	simm.s32 @!p0 $0x50;
	[sflag:s25] =	ssyncset.done $0x0;
	s3 =	sshra.s32 @!p0 s0, $0x2  }
0x242: {  	s8 =	simm.s32 @!p0 $0x1900;
	[sflag:s25] =	ssyncadd.s32 $0xFFFFD800;
	s0 =	sadd.s32 @!p0 $0x190, s3  }
0x243: {  	[tilespmem:s8], [sflag:$0x1] =	stream.indirect.gather @!p0 [hbm4b:s1+s7], $0x80, s0, s7, $0xb8;
	[tilespmem:$0x1A900] =	vst v63  }
0x244: {  	_ =	swait.ge [sflag:s26], $0x2800  }
0x245: {  	[sflag:s26] =	ssyncset.done $0x0  }
0x246: {  	s7 =	simm.s32 $0x0;
	[sflag:s26] =	ssyncadd.s32 $0xFFFFD800  }
0x247: {  	v0 =	vld [tilespmem:s7+$0x134F0]  }
0x248: {  	v1 =	vld [tilespmem:s7+$0x13100]  }
0x249: {  	v2 =	vld [tilespmem:s7+$0x13110]  }
0x24a: {  	v3 =	vld [tilespmem:s7+$0x13120]  }
0x24b: {  	v4 =	vld [tilespmem:s7+$0x13130]  }
0x24c: {  	v5 =	vld [tilespmem:s7+$0x13140]  }
0x24d: {  	v6 =	vld [tilespmem:s7+$0x13150]  }
0x24e: {  	v7 =	vld [tilespmem:s7+$0x13160]  }
0x24f: {  	v8 =	vld [tilespmem:s7+$0x13170]  }
0x250: {  	v9 =	vld [tilespmem:s7+$0x13180]  }
0x251: {  	v10 =	vld [tilespmem:s7+$0x13190]  }
0x252: {  	v11 =	vld [tilespmem:s7+$0x131A0]  }
0x253: {  	v12 =	vld [tilespmem:s7+$0x131B0]  }
0x254: {  	v13 =	vld [tilespmem:s7+$0x131C0]  }
0x255: {  	v14 =	vld [tilespmem:s7+$0x131D0]  }
0x256: {  	v15 =	vld [tilespmem:s7+$0x131E0]  }
0x257: {  	v16 =	vld [tilespmem:s7+$0x131F0]  }
0x258: {  	v17 =	vld [tilespmem:s7+$0x13200]  }
0x259: {  	v18 =	vld [tilespmem:s7+$0x13210]  }
0x25a: {  	v19 =	vld [tilespmem:s7+$0x13220]  }
0x25b: {  	v20 =	vld [tilespmem:s7+$0x13230]  }
0x25c: {  	v21 =	vld [tilespmem:s7+$0x13240]  }
0x25d: {  	v22 =	vld [tilespmem:s7+$0x13250]  }
0x25e: {  	v23 =	vld [tilespmem:s7+$0x13260]  }
0x25f: {  	v24 =	vld [tilespmem:s7+$0x13270]  }
0x260: {  	v25 =	vld [tilespmem:s7+$0x13280]  }
0x261: {  	v26 =	vld [tilespmem:s7+$0x13290]  }
0x262: {  	v27 =	vld [tilespmem:s7+$0x132A0]  }
0x263: {  	v28 =	vld [tilespmem:s7+$0x132B0]  }
0x264: {  	v29 =	vld [tilespmem:s7+$0x132C0]  }
0x265: {  	v30 =	vld [tilespmem:s7+$0x132D0]  }
0x266: {  	v31 =	vld [tilespmem:s7+$0x132E0]  }
0x267: {  	v32 =	vld [tilespmem:s7+$0x132F0]  }
0x268: {  	v33 =	vld [tilespmem:s7+$0x13300]  }
0x269: {  	v34 =	vld [tilespmem:s7+$0x13310]  }
0x26a: {  	v35 =	vld [tilespmem:s7+$0x13320]  }
0x26b: {  	v36 =	vld [tilespmem:s7+$0x13330]  }
0x26c: {  	v37 =	vld [tilespmem:s7+$0x13340]  }
0x26d: {  	v38 =	vld [tilespmem:s7+$0x13350]  }
0x26e: {  	v39 =	vld [tilespmem:s7+$0x13360]  }
0x26f: {  	v40 =	vld [tilespmem:s7+$0x13370]  }
0x270: {  	v41 =	vld [tilespmem:s7+$0x13380]  }
0x271: {  	v42 =	vld [tilespmem:s7+$0x13390]  }
0x272: {  	v43 =	vld [tilespmem:s7+$0x133A0]  }
0x273: {  	v44 =	vld [tilespmem:s7+$0x133B0]  }
0x274: {  	v45 =	vld [tilespmem:s7+$0x133C0]  }
0x275: {  	v46 =	vld [tilespmem:s7+$0x133D0]  }
0x276: {  	v47 =	vld [tilespmem:s7+$0x133E0]  }
0x277: {  	v48 =	vld [tilespmem:s7+$0x133F0]  }
0x278: {  	v49 =	vld [tilespmem:s7+$0x13400]  }
0x279: {  	v50 =	vld [tilespmem:s7+$0x13410]  }
0x27a: {  	v51 =	vld [tilespmem:s7+$0x13420]  }
0x27b: {  	v52 =	vld [tilespmem:s7+$0x13430]  }
0x27c: {  	v53 =	vld [tilespmem:s7+$0x13440]  }
0x27d: {  	v54 =	vld [tilespmem:s7+$0x13450]  }
0x27e: {  	v55 =	vld [tilespmem:s7+$0x13460]  }
0x27f: {  	v56 =	vld [tilespmem:s7+$0x13470]  }
0x280: {  	v57 =	vld [tilespmem:s7+$0x13480]  }
0x281: {  	v58 =	vld [tilespmem:s7+$0x13490]  }
0x282: {  	v59 =	vld [tilespmem:s7+$0x134A0]  }
0x283: {  	v60 =	vld [tilespmem:s7+$0x134B0]  }
0x284: {  	v61 =	vld [tilespmem:s7+$0x134C0]  }
0x285: {  	v62 =	vld [tilespmem:s7+$0x134D0]  }
0x286: {  	[tilespmem:s7+$0x6CF0] =	vst.add.f32.msk $0xffff, v0  }
0x287: {  	v0 =	vld [tilespmem:s7+$0x134E0]  }
0x288: {  	[tilespmem:s7+$0x6900] =	vst.add.f32.msk $0xffff, v1  }
0x289: {  	[tilespmem:s7+$0x6910] =	vst.add.f32.msk $0xffff, v2  }
0x28a: {  	[tilespmem:s7+$0x6920] =	vst.add.f32.msk $0xffff, v3  }
0x28b: {  	[tilespmem:s7+$0x6930] =	vst.add.f32.msk $0xffff, v4  }
0x28c: {  	[tilespmem:s7+$0x6940] =	vst.add.f32.msk $0xffff, v5  }
0x28d: {  	[tilespmem:s7+$0x6950] =	vst.add.f32.msk $0xffff, v6  }
0x28e: {  	[tilespmem:s7+$0x6960] =	vst.add.f32.msk $0xffff, v7  }
0x28f: {  	[tilespmem:s7+$0x6970] =	vst.add.f32.msk $0xffff, v8  }
0x290: {  	[tilespmem:s7+$0x6980] =	vst.add.f32.msk $0xffff, v9  }
0x291: {  	[tilespmem:s7+$0x6990] =	vst.add.f32.msk $0xffff, v10  }
0x292: {  	[tilespmem:s7+$0x69A0] =	vst.add.f32.msk $0xffff, v11  }
0x293: {  	[tilespmem:s7+$0x69B0] =	vst.add.f32.msk $0xffff, v12  }
0x294: {  	[tilespmem:s7+$0x69C0] =	vst.add.f32.msk $0xffff, v13  }
0x295: {  	[tilespmem:s7+$0x69D0] =	vst.add.f32.msk $0xffff, v14  }
0x296: {  	[tilespmem:s7+$0x69E0] =	vst.add.f32.msk $0xffff, v15  }
0x297: {  	[tilespmem:s7+$0x69F0] =	vst.add.f32.msk $0xffff, v16  }
0x298: {  	[tilespmem:s7+$0x6A00] =	vst.add.f32.msk $0xffff, v17  }
0x299: {  	[tilespmem:s7+$0x6A10] =	vst.add.f32.msk $0xffff, v18  }
0x29a: {  	[tilespmem:s7+$0x6A20] =	vst.add.f32.msk $0xffff, v19  }
0x29b: {  	[tilespmem:s7+$0x6A30] =	vst.add.f32.msk $0xffff, v20  }
0x29c: {  	[tilespmem:s7+$0x6A40] =	vst.add.f32.msk $0xffff, v21  }
0x29d: {  	[tilespmem:s7+$0x6A50] =	vst.add.f32.msk $0xffff, v22  }
0x29e: {  	[tilespmem:s7+$0x6A60] =	vst.add.f32.msk $0xffff, v23  }
0x29f: {  	[tilespmem:s7+$0x6A70] =	vst.add.f32.msk $0xffff, v24  }
0x2a0: {  	[tilespmem:s7+$0x6A80] =	vst.add.f32.msk $0xffff, v25  }
0x2a1: {  	[tilespmem:s7+$0x6A90] =	vst.add.f32.msk $0xffff, v26  }
0x2a2: {  	[tilespmem:s7+$0x6AA0] =	vst.add.f32.msk $0xffff, v27  }
0x2a3: {  	[tilespmem:s7+$0x6AB0] =	vst.add.f32.msk $0xffff, v28  }
0x2a4: {  	[tilespmem:s7+$0x6AC0] =	vst.add.f32.msk $0xffff, v29  }
0x2a5: {  	[tilespmem:s7+$0x6AD0] =	vst.add.f32.msk $0xffff, v30  }
0x2a6: {  	[tilespmem:s7+$0x6AE0] =	vst.add.f32.msk $0xffff, v31  }
0x2a7: {  	[tilespmem:s7+$0x6AF0] =	vst.add.f32.msk $0xffff, v32  }
0x2a8: {  	[tilespmem:s7+$0x6B00] =	vst.add.f32.msk $0xffff, v33  }
0x2a9: {  	[tilespmem:s7+$0x6B10] =	vst.add.f32.msk $0xffff, v34  }
0x2aa: {  	[tilespmem:s7+$0x6B20] =	vst.add.f32.msk $0xffff, v35  }
0x2ab: {  	[tilespmem:s7+$0x6B30] =	vst.add.f32.msk $0xffff, v36  }
0x2ac: {  	[tilespmem:s7+$0x6B40] =	vst.add.f32.msk $0xffff, v37  }
0x2ad: {  	[tilespmem:s7+$0x6B50] =	vst.add.f32.msk $0xffff, v38  }
0x2ae: {  	[tilespmem:s7+$0x6B60] =	vst.add.f32.msk $0xffff, v39  }
0x2af: {  	[tilespmem:s7+$0x6B70] =	vst.add.f32.msk $0xffff, v40  }
0x2b0: {  	[tilespmem:s7+$0x6B80] =	vst.add.f32.msk $0xffff, v41  }
0x2b1: {  	[tilespmem:s7+$0x6B90] =	vst.add.f32.msk $0xffff, v42  }
0x2b2: {  	[tilespmem:s7+$0x6BA0] =	vst.add.f32.msk $0xffff, v43  }
0x2b3: {  	[tilespmem:s7+$0x6BB0] =	vst.add.f32.msk $0xffff, v44  }
0x2b4: {  	[tilespmem:s7+$0x6BC0] =	vst.add.f32.msk $0xffff, v45  }
0x2b5: {  	[tilespmem:s7+$0x6BD0] =	vst.add.f32.msk $0xffff, v46  }
0x2b6: {  	[tilespmem:s7+$0x6BE0] =	vst.add.f32.msk $0xffff, v47  }
0x2b7: {  	[tilespmem:s7+$0x6BF0] =	vst.add.f32.msk $0xffff, v48  }
0x2b8: {  	[tilespmem:s7+$0x6C00] =	vst.add.f32.msk $0xffff, v49  }
0x2b9: {  	[tilespmem:s7+$0x6C10] =	vst.add.f32.msk $0xffff, v50  }
0x2ba: {  	[tilespmem:s7+$0x6C20] =	vst.add.f32.msk $0xffff, v51  }
0x2bb: {  	[tilespmem:s7+$0x6C30] =	vst.add.f32.msk $0xffff, v52  }
0x2bc: {  	[tilespmem:s7+$0x6C40] =	vst.add.f32.msk $0xffff, v53  }
0x2bd: {  	[tilespmem:s7+$0x6C50] =	vst.add.f32.msk $0xffff, v54  }
0x2be: {  	[tilespmem:s7+$0x6C60] =	vst.add.f32.msk $0xffff, v55  }
0x2bf: {  	[tilespmem:s7+$0x6C70] =	vst.add.f32.msk $0xffff, v56  }
0x2c0: {  	[tilespmem:s7+$0x6C80] =	vst.add.f32.msk $0xffff, v57  }
0x2c1: {  	[tilespmem:s7+$0x6C90] =	vst.add.f32.msk $0xffff, v58  }
0x2c2: {  	[tilespmem:s7+$0x6CA0] =	vst.add.f32.msk $0xffff, v59  }
0x2c3: {  	[tilespmem:s7+$0x6CB0] =	vst.add.f32.msk $0xffff, v60  }
0x2c4: {  	[tilespmem:s7+$0x6CC0] =	vst.add.f32.msk $0xffff, v61  }
0x2c5: {  	s8 =	simm.s32 $0x0;
	s0 =	simm.s32 $0x1000;
	[tilespmem:s7+$0x6CD0] =	vst.add.f32.msk $0xffff, v62  }
.LBB2_7:
0x2c6: {  	s8 =	sadd.s32 $0x8, s8;
	[tilespmem:s7+$0x6CE0] =	vst.add.f32.msk $0xffff, v0;
	s7 =	sshra.s32 s0, $0x2  }
0x2c7: {  	v0 =	vld [tilespmem:s7+$0x134F0];
	p1 =	slt.u32 s8, $0x48  }
0x2c8: {  	v1 =	vld [tilespmem:s7+$0x13100]  }
0x2c9: {  	v2 =	vld [tilespmem:s7+$0x13110]  }
0x2ca: {  	v3 =	vld [tilespmem:s7+$0x13120]  }
0x2cb: {  	v4 =	vld [tilespmem:s7+$0x13130]  }
0x2cc: {  	[tilespmem:s7+$0x6CF0] =	vst.add.f32.msk $0xffff, v0  }
0x2cd: {  	v5 =	vld [tilespmem:s7+$0x13140]  }
0x2ce: {  	v6 =	vld [tilespmem:s7+$0x13150]  }
0x2cf: {  	v7 =	vld [tilespmem:s7+$0x13160]  }
0x2d0: {  	v8 =	vld [tilespmem:s7+$0x13170]  }
0x2d1: {  	v9 =	vld [tilespmem:s7+$0x13180]  }
0x2d2: {  	v10 =	vld [tilespmem:s7+$0x13190]  }
0x2d3: {  	v11 =	vld [tilespmem:s7+$0x131A0]  }
0x2d4: {  	v12 =	vld [tilespmem:s7+$0x131B0]  }
0x2d5: {  	v13 =	vld [tilespmem:s7+$0x131C0]  }
0x2d6: {  	v14 =	vld [tilespmem:s7+$0x131D0]  }
0x2d7: {  	v15 =	vld [tilespmem:s7+$0x131E0]  }
0x2d8: {  	v16 =	vld [tilespmem:s7+$0x131F0]  }
0x2d9: {  	v17 =	vld [tilespmem:s7+$0x13200]  }
0x2da: {  	v18 =	vld [tilespmem:s7+$0x13210]  }
0x2db: {  	v19 =	vld [tilespmem:s7+$0x13220]  }
0x2dc: {  	v20 =	vld [tilespmem:s7+$0x13230]  }
0x2dd: {  	v21 =	vld [tilespmem:s7+$0x13240]  }
0x2de: {  	v22 =	vld [tilespmem:s7+$0x13250]  }
0x2df: {  	v23 =	vld [tilespmem:s7+$0x13260]  }
0x2e0: {  	v24 =	vld [tilespmem:s7+$0x13270]  }
0x2e1: {  	v25 =	vld [tilespmem:s7+$0x13280]  }
0x2e2: {  	v26 =	vld [tilespmem:s7+$0x13290]  }
0x2e3: {  	v27 =	vld [tilespmem:s7+$0x132A0]  }
0x2e4: {  	v28 =	vld [tilespmem:s7+$0x132B0]  }
0x2e5: {  	v29 =	vld [tilespmem:s7+$0x132C0]  }
0x2e6: {  	v30 =	vld [tilespmem:s7+$0x132D0]  }
0x2e7: {  	v31 =	vld [tilespmem:s7+$0x132E0]  }
0x2e8: {  	v32 =	vld [tilespmem:s7+$0x132F0]  }
0x2e9: {  	v33 =	vld [tilespmem:s7+$0x13300]  }
0x2ea: {  	v34 =	vld [tilespmem:s7+$0x13310]  }
0x2eb: {  	v35 =	vld [tilespmem:s7+$0x13320]  }
0x2ec: {  	v36 =	vld [tilespmem:s7+$0x13330]  }
0x2ed: {  	v37 =	vld [tilespmem:s7+$0x13340]  }
0x2ee: {  	v38 =	vld [tilespmem:s7+$0x13350]  }
0x2ef: {  	v39 =	vld [tilespmem:s7+$0x13360]  }
0x2f0: {  	v40 =	vld [tilespmem:s7+$0x13370]  }
0x2f1: {  	v41 =	vld [tilespmem:s7+$0x13380]  }
0x2f2: {  	v42 =	vld [tilespmem:s7+$0x13390]  }
0x2f3: {  	v43 =	vld [tilespmem:s7+$0x133A0]  }
0x2f4: {  	v44 =	vld [tilespmem:s7+$0x133B0]  }
0x2f5: {  	v45 =	vld [tilespmem:s7+$0x133C0]  }
0x2f6: {  	v46 =	vld [tilespmem:s7+$0x133D0]  }
0x2f7: {  	v47 =	vld [tilespmem:s7+$0x133E0]  }
0x2f8: {  	v48 =	vld [tilespmem:s7+$0x133F0]  }
0x2f9: {  	v49 =	vld [tilespmem:s7+$0x13400]  }
0x2fa: {  	v50 =	vld [tilespmem:s7+$0x13410]  }
0x2fb: {  	v51 =	vld [tilespmem:s7+$0x13420]  }
0x2fc: {  	v52 =	vld [tilespmem:s7+$0x13430]  }
0x2fd: {  	v53 =	vld [tilespmem:s7+$0x13440]  }
0x2fe: {  	v54 =	vld [tilespmem:s7+$0x13450]  }
0x2ff: {  	v55 =	vld [tilespmem:s7+$0x13460]  }
0x300: {  	v56 =	vld [tilespmem:s7+$0x13470]  }
0x301: {  	v57 =	vld [tilespmem:s7+$0x13480]  }
0x302: {  	v58 =	vld [tilespmem:s7+$0x13490]  }
0x303: {  	v59 =	vld [tilespmem:s7+$0x134A0]  }
0x304: {  	v60 =	vld [tilespmem:s7+$0x134B0]  }
0x305: {  	v61 =	vld [tilespmem:s7+$0x134C0]  }
0x306: {  	v62 =	vld [tilespmem:s7+$0x134D0]  }
0x307: {  	v0 =	vld [tilespmem:s7+$0x134E0]  }
0x308: {  	[tilespmem:s7+$0x6900] =	vst.add.f32.msk $0xffff, v1  }
0x309: {  	[tilespmem:s7+$0x6910] =	vst.add.f32.msk $0xffff, v2  }
0x30a: {  	[tilespmem:s7+$0x6920] =	vst.add.f32.msk $0xffff, v3  }
0x30b: {  	[tilespmem:s7+$0x6930] =	vst.add.f32.msk $0xffff, v4  }
0x30c: {  	[tilespmem:s7+$0x6940] =	vst.add.f32.msk $0xffff, v5  }
0x30d: {  	[tilespmem:s7+$0x6950] =	vst.add.f32.msk $0xffff, v6  }
0x30e: {  	[tilespmem:s7+$0x6960] =	vst.add.f32.msk $0xffff, v7  }
0x30f: {  	[tilespmem:s7+$0x6970] =	vst.add.f32.msk $0xffff, v8  }
0x310: {  	[tilespmem:s7+$0x6980] =	vst.add.f32.msk $0xffff, v9  }
0x311: {  	[tilespmem:s7+$0x6990] =	vst.add.f32.msk $0xffff, v10  }
0x312: {  	[tilespmem:s7+$0x69A0] =	vst.add.f32.msk $0xffff, v11  }
0x313: {  	[tilespmem:s7+$0x69B0] =	vst.add.f32.msk $0xffff, v12  }
0x314: {  	[tilespmem:s7+$0x69C0] =	vst.add.f32.msk $0xffff, v13  }
0x315: {  	[tilespmem:s7+$0x69D0] =	vst.add.f32.msk $0xffff, v14  }
0x316: {  	[tilespmem:s7+$0x69E0] =	vst.add.f32.msk $0xffff, v15  }
0x317: {  	[tilespmem:s7+$0x69F0] =	vst.add.f32.msk $0xffff, v16  }
0x318: {  	[tilespmem:s7+$0x6A00] =	vst.add.f32.msk $0xffff, v17  }
0x319: {  	[tilespmem:s7+$0x6A10] =	vst.add.f32.msk $0xffff, v18  }
0x31a: {  	[tilespmem:s7+$0x6A20] =	vst.add.f32.msk $0xffff, v19  }
0x31b: {  	[tilespmem:s7+$0x6A30] =	vst.add.f32.msk $0xffff, v20  }
0x31c: {  	[tilespmem:s7+$0x6A40] =	vst.add.f32.msk $0xffff, v21  }
0x31d: {  	[tilespmem:s7+$0x6A50] =	vst.add.f32.msk $0xffff, v22  }
0x31e: {  	[tilespmem:s7+$0x6A60] =	vst.add.f32.msk $0xffff, v23  }
0x31f: {  	[tilespmem:s7+$0x6A70] =	vst.add.f32.msk $0xffff, v24  }
0x320: {  	[tilespmem:s7+$0x6A80] =	vst.add.f32.msk $0xffff, v25  }
0x321: {  	[tilespmem:s7+$0x6A90] =	vst.add.f32.msk $0xffff, v26  }
0x322: {  	[tilespmem:s7+$0x6AA0] =	vst.add.f32.msk $0xffff, v27  }
0x323: {  	[tilespmem:s7+$0x6AB0] =	vst.add.f32.msk $0xffff, v28  }
0x324: {  	[tilespmem:s7+$0x6AC0] =	vst.add.f32.msk $0xffff, v29  }
0x325: {  	[tilespmem:s7+$0x6AD0] =	vst.add.f32.msk $0xffff, v30  }
0x326: {  	[tilespmem:s7+$0x6AE0] =	vst.add.f32.msk $0xffff, v31  }
0x327: {  	[tilespmem:s7+$0x6AF0] =	vst.add.f32.msk $0xffff, v32  }
0x328: {  	[tilespmem:s7+$0x6B00] =	vst.add.f32.msk $0xffff, v33  }
0x329: {  	[tilespmem:s7+$0x6B10] =	vst.add.f32.msk $0xffff, v34  }
0x32a: {  	[tilespmem:s7+$0x6B20] =	vst.add.f32.msk $0xffff, v35  }
0x32b: {  	[tilespmem:s7+$0x6B30] =	vst.add.f32.msk $0xffff, v36  }
0x32c: {  	[tilespmem:s7+$0x6B40] =	vst.add.f32.msk $0xffff, v37  }
0x32d: {  	[tilespmem:s7+$0x6B50] =	vst.add.f32.msk $0xffff, v38  }
0x32e: {  	[tilespmem:s7+$0x6B60] =	vst.add.f32.msk $0xffff, v39  }
0x32f: {  	[tilespmem:s7+$0x6B70] =	vst.add.f32.msk $0xffff, v40  }
0x330: {  	[tilespmem:s7+$0x6B80] =	vst.add.f32.msk $0xffff, v41  }
0x331: {  	[tilespmem:s7+$0x6B90] =	vst.add.f32.msk $0xffff, v42  }
0x332: {  	[tilespmem:s7+$0x6BA0] =	vst.add.f32.msk $0xffff, v43  }
0x333: {  	[tilespmem:s7+$0x6BB0] =	vst.add.f32.msk $0xffff, v44  }
0x334: {  	[tilespmem:s7+$0x6BC0] =	vst.add.f32.msk $0xffff, v45  }
0x335: {  	[tilespmem:s7+$0x6BD0] =	vst.add.f32.msk $0xffff, v46  }
0x336: {  	[tilespmem:s7+$0x6BE0] =	vst.add.f32.msk $0xffff, v47  }
0x337: {  	[tilespmem:s7+$0x6BF0] =	vst.add.f32.msk $0xffff, v48  }
0x338: {  	[tilespmem:s7+$0x6C00] =	vst.add.f32.msk $0xffff, v49  }
0x339: {  	[tilespmem:s7+$0x6C10] =	vst.add.f32.msk $0xffff, v50  }
0x33a: {  	[tilespmem:s7+$0x6C20] =	vst.add.f32.msk $0xffff, v51  }
0x33b: {  	[tilespmem:s7+$0x6C30] =	vst.add.f32.msk $0xffff, v52  }
0x33c: {  	[tilespmem:s7+$0x6C40] =	vst.add.f32.msk $0xffff, v53  }
0x33d: {  	[tilespmem:s7+$0x6C50] =	vst.add.f32.msk $0xffff, v54  }
0x33e: {  	[tilespmem:s7+$0x6C60] =	vst.add.f32.msk $0xffff, v55  }
0x33f: {  	[tilespmem:s7+$0x6C70] =	vst.add.f32.msk $0xffff, v56  }
0x340: {  	[tilespmem:s7+$0x6C80] =	vst.add.f32.msk $0xffff, v57  }
.Ltmp4:
0x341: {  	[tilespmem:s7+$0x6C90] =	vst.add.f32.msk $0xffff, v58;
	(pc) =	sbr.rel @p1 .LBB2_7-.Ltmp4, $4  }
0x342: {  	[tilespmem:s7+$0x6CA0] =	vst.add.f32.msk $0xffff, v59  }
0x343: {  	[tilespmem:s7+$0x6CB0] =	vst.add.f32.msk $0xffff, v60  }
0x344: {  	[tilespmem:s7+$0x6CC0] =	vst.add.f32.msk $0xffff, v61  }
0x345: {  	s0 =	sadd.s32 $0x1000, s0;
	[tilespmem:s7+$0x6CD0] =	vst.add.f32.msk $0xffff, v62  }
0x346: {  	s0 =	sadd.s32 s10, s21  }
0x347: {  	s0 =	sshll.u32 s0, $0x4  }
0x348: {  	[tilespmem:s7+$0x6CE0] =	vst.add.f32.msk $0xffff, v0;
	s0 =	sadd.s32 s4, s0  }
0x349: {  	[hbm4b:s0+s5] =	stream.linear.scatter [tilespmem:s17], [sflag:$0x8], $0x2800, $0x38;
	[tilespmem:$0x1A900] =	vst v63  }
0x34a: {  	_ =	swait.ge [sflag:s28], $0x2800  }
0x34b: {  	s7 =	simm.s32 @!p0 $0x50;
	[sflag:s28] =	ssyncset.done $0x0  }
0x34c: {  	s8 =	simm.s32 @!p0 $0x4100;
	s0 =	sadd.s32 @!p0 $0x1E0, s3;
	[sflag:s28] =	ssyncadd.s32 $0xFFFFD800  }
0x34d: {  	[tilespmem:s8], [sflag:$0x2] =	stream.indirect.gather @!p0 [hbm4b:s1+s7], $0x80, s0, s7, $0xb8;
	[tilespmem:$0x1A900] =	vst v63  }
0x34e: {  	_ =	swait.ge [sflag:s29], $0x2800  }
0x34f: {  	[sflag:s29] =	ssyncset.done $0x0  }
0x350: {  	s7 =	simm.s32 $0x0;
	[sflag:s29] =	ssyncadd.s32 $0xFFFFD800  }
0x351: {  	v0 =	vld [tilespmem:s7+$0xF8F0]  }
0x352: {  	v1 =	vld [tilespmem:s7+$0xF500]  }
0x353: {  	v2 =	vld [tilespmem:s7+$0xF510]  }
0x354: {  	v3 =	vld [tilespmem:s7+$0xF520]  }
0x355: {  	v4 =	vld [tilespmem:s7+$0xF530]  }
0x356: {  	v5 =	vld [tilespmem:s7+$0xF540]  }
0x357: {  	v6 =	vld [tilespmem:s7+$0xF550]  }
0x358: {  	v7 =	vld [tilespmem:s7+$0xF560]  }
0x359: {  	v8 =	vld [tilespmem:s7+$0xF570]  }
0x35a: {  	v9 =	vld [tilespmem:s7+$0xF580]  }
0x35b: {  	v10 =	vld [tilespmem:s7+$0xF590]  }
0x35c: {  	v11 =	vld [tilespmem:s7+$0xF5A0]  }
0x35d: {  	v12 =	vld [tilespmem:s7+$0xF5B0]  }
0x35e: {  	v13 =	vld [tilespmem:s7+$0xF5C0]  }
0x35f: {  	v14 =	vld [tilespmem:s7+$0xF5D0]  }
0x360: {  	v15 =	vld [tilespmem:s7+$0xF5E0]  }
0x361: {  	v16 =	vld [tilespmem:s7+$0xF5F0]  }
0x362: {  	v17 =	vld [tilespmem:s7+$0xF600]  }
0x363: {  	v18 =	vld [tilespmem:s7+$0xF610]  }
0x364: {  	v19 =	vld [tilespmem:s7+$0xF620]  }
0x365: {  	v20 =	vld [tilespmem:s7+$0xF630]  }
0x366: {  	v21 =	vld [tilespmem:s7+$0xF640]  }
0x367: {  	v22 =	vld [tilespmem:s7+$0xF650]  }
0x368: {  	v23 =	vld [tilespmem:s7+$0xF660]  }
0x369: {  	v24 =	vld [tilespmem:s7+$0xF670]  }
0x36a: {  	v25 =	vld [tilespmem:s7+$0xF680]  }
0x36b: {  	v26 =	vld [tilespmem:s7+$0xF690]  }
0x36c: {  	v27 =	vld [tilespmem:s7+$0xF6A0]  }
0x36d: {  	v28 =	vld [tilespmem:s7+$0xF6B0]  }
0x36e: {  	v29 =	vld [tilespmem:s7+$0xF6C0]  }
0x36f: {  	v30 =	vld [tilespmem:s7+$0xF6D0]  }
0x370: {  	v31 =	vld [tilespmem:s7+$0xF6E0]  }
0x371: {  	v32 =	vld [tilespmem:s7+$0xF6F0]  }
0x372: {  	v33 =	vld [tilespmem:s7+$0xF700]  }
0x373: {  	v34 =	vld [tilespmem:s7+$0xF710]  }
0x374: {  	v35 =	vld [tilespmem:s7+$0xF720]  }
0x375: {  	v36 =	vld [tilespmem:s7+$0xF730]  }
0x376: {  	v37 =	vld [tilespmem:s7+$0xF740]  }
0x377: {  	v38 =	vld [tilespmem:s7+$0xF750]  }
0x378: {  	v39 =	vld [tilespmem:s7+$0xF760]  }
0x379: {  	v40 =	vld [tilespmem:s7+$0xF770]  }
0x37a: {  	v41 =	vld [tilespmem:s7+$0xF780]  }
0x37b: {  	v42 =	vld [tilespmem:s7+$0xF790]  }
0x37c: {  	v43 =	vld [tilespmem:s7+$0xF7A0]  }
0x37d: {  	v44 =	vld [tilespmem:s7+$0xF7B0]  }
0x37e: {  	v45 =	vld [tilespmem:s7+$0xF7C0]  }
0x37f: {  	v46 =	vld [tilespmem:s7+$0xF7D0]  }
0x380: {  	v47 =	vld [tilespmem:s7+$0xF7E0]  }
0x381: {  	v48 =	vld [tilespmem:s7+$0xF7F0]  }
0x382: {  	v49 =	vld [tilespmem:s7+$0xF800]  }
0x383: {  	v50 =	vld [tilespmem:s7+$0xF810]  }
0x384: {  	v51 =	vld [tilespmem:s7+$0xF820]  }
0x385: {  	v52 =	vld [tilespmem:s7+$0xF830]  }
0x386: {  	v53 =	vld [tilespmem:s7+$0xF840]  }
0x387: {  	v54 =	vld [tilespmem:s7+$0xF850]  }
0x388: {  	v55 =	vld [tilespmem:s7+$0xF860]  }
0x389: {  	v56 =	vld [tilespmem:s7+$0xF870]  }
0x38a: {  	v57 =	vld [tilespmem:s7+$0xF880]  }
0x38b: {  	v58 =	vld [tilespmem:s7+$0xF890]  }
0x38c: {  	v59 =	vld [tilespmem:s7+$0xF8A0]  }
0x38d: {  	v60 =	vld [tilespmem:s7+$0xF8B0]  }
0x38e: {  	v61 =	vld [tilespmem:s7+$0xF8C0]  }
0x38f: {  	v62 =	vld [tilespmem:s7+$0xF8D0]  }
0x390: {  	[tilespmem:s7+$0x94F0] =	vst.add.f32.msk $0xffff, v0  }
0x391: {  	v0 =	vld [tilespmem:s7+$0xF8E0]  }
0x392: {  	[tilespmem:s7+$0x9100] =	vst.add.f32.msk $0xffff, v1  }
0x393: {  	[tilespmem:s7+$0x9110] =	vst.add.f32.msk $0xffff, v2  }
0x394: {  	[tilespmem:s7+$0x9120] =	vst.add.f32.msk $0xffff, v3  }
0x395: {  	[tilespmem:s7+$0x9130] =	vst.add.f32.msk $0xffff, v4  }
0x396: {  	[tilespmem:s7+$0x9140] =	vst.add.f32.msk $0xffff, v5  }
0x397: {  	[tilespmem:s7+$0x9150] =	vst.add.f32.msk $0xffff, v6  }
0x398: {  	[tilespmem:s7+$0x9160] =	vst.add.f32.msk $0xffff, v7  }
0x399: {  	[tilespmem:s7+$0x9170] =	vst.add.f32.msk $0xffff, v8  }
0x39a: {  	[tilespmem:s7+$0x9180] =	vst.add.f32.msk $0xffff, v9  }
0x39b: {  	[tilespmem:s7+$0x9190] =	vst.add.f32.msk $0xffff, v10  }
0x39c: {  	[tilespmem:s7+$0x91A0] =	vst.add.f32.msk $0xffff, v11  }
0x39d: {  	[tilespmem:s7+$0x91B0] =	vst.add.f32.msk $0xffff, v12  }
0x39e: {  	[tilespmem:s7+$0x91C0] =	vst.add.f32.msk $0xffff, v13  }
0x39f: {  	[tilespmem:s7+$0x91D0] =	vst.add.f32.msk $0xffff, v14  }
0x3a0: {  	[tilespmem:s7+$0x91E0] =	vst.add.f32.msk $0xffff, v15  }
0x3a1: {  	[tilespmem:s7+$0x91F0] =	vst.add.f32.msk $0xffff, v16  }
0x3a2: {  	[tilespmem:s7+$0x9200] =	vst.add.f32.msk $0xffff, v17  }
0x3a3: {  	[tilespmem:s7+$0x9210] =	vst.add.f32.msk $0xffff, v18  }
0x3a4: {  	[tilespmem:s7+$0x9220] =	vst.add.f32.msk $0xffff, v19  }
0x3a5: {  	[tilespmem:s7+$0x9230] =	vst.add.f32.msk $0xffff, v20  }
0x3a6: {  	[tilespmem:s7+$0x9240] =	vst.add.f32.msk $0xffff, v21  }
0x3a7: {  	[tilespmem:s7+$0x9250] =	vst.add.f32.msk $0xffff, v22  }
0x3a8: {  	[tilespmem:s7+$0x9260] =	vst.add.f32.msk $0xffff, v23  }
0x3a9: {  	[tilespmem:s7+$0x9270] =	vst.add.f32.msk $0xffff, v24  }
0x3aa: {  	[tilespmem:s7+$0x9280] =	vst.add.f32.msk $0xffff, v25  }
0x3ab: {  	[tilespmem:s7+$0x9290] =	vst.add.f32.msk $0xffff, v26  }
0x3ac: {  	[tilespmem:s7+$0x92A0] =	vst.add.f32.msk $0xffff, v27  }
0x3ad: {  	[tilespmem:s7+$0x92B0] =	vst.add.f32.msk $0xffff, v28  }
0x3ae: {  	[tilespmem:s7+$0x92C0] =	vst.add.f32.msk $0xffff, v29  }
0x3af: {  	[tilespmem:s7+$0x92D0] =	vst.add.f32.msk $0xffff, v30  }
0x3b0: {  	[tilespmem:s7+$0x92E0] =	vst.add.f32.msk $0xffff, v31  }
0x3b1: {  	[tilespmem:s7+$0x92F0] =	vst.add.f32.msk $0xffff, v32  }
0x3b2: {  	[tilespmem:s7+$0x9300] =	vst.add.f32.msk $0xffff, v33  }
0x3b3: {  	[tilespmem:s7+$0x9310] =	vst.add.f32.msk $0xffff, v34  }
0x3b4: {  	[tilespmem:s7+$0x9320] =	vst.add.f32.msk $0xffff, v35  }
0x3b5: {  	[tilespmem:s7+$0x9330] =	vst.add.f32.msk $0xffff, v36  }
0x3b6: {  	[tilespmem:s7+$0x9340] =	vst.add.f32.msk $0xffff, v37  }
0x3b7: {  	[tilespmem:s7+$0x9350] =	vst.add.f32.msk $0xffff, v38  }
0x3b8: {  	[tilespmem:s7+$0x9360] =	vst.add.f32.msk $0xffff, v39  }
0x3b9: {  	[tilespmem:s7+$0x9370] =	vst.add.f32.msk $0xffff, v40  }
0x3ba: {  	[tilespmem:s7+$0x9380] =	vst.add.f32.msk $0xffff, v41  }
0x3bb: {  	[tilespmem:s7+$0x9390] =	vst.add.f32.msk $0xffff, v42  }
0x3bc: {  	[tilespmem:s7+$0x93A0] =	vst.add.f32.msk $0xffff, v43  }
0x3bd: {  	[tilespmem:s7+$0x93B0] =	vst.add.f32.msk $0xffff, v44  }
0x3be: {  	[tilespmem:s7+$0x93C0] =	vst.add.f32.msk $0xffff, v45  }
0x3bf: {  	[tilespmem:s7+$0x93D0] =	vst.add.f32.msk $0xffff, v46  }
0x3c0: {  	[tilespmem:s7+$0x93E0] =	vst.add.f32.msk $0xffff, v47  }
0x3c1: {  	[tilespmem:s7+$0x93F0] =	vst.add.f32.msk $0xffff, v48  }
0x3c2: {  	[tilespmem:s7+$0x9400] =	vst.add.f32.msk $0xffff, v49  }
0x3c3: {  	[tilespmem:s7+$0x9410] =	vst.add.f32.msk $0xffff, v50  }
0x3c4: {  	[tilespmem:s7+$0x9420] =	vst.add.f32.msk $0xffff, v51  }
0x3c5: {  	[tilespmem:s7+$0x9430] =	vst.add.f32.msk $0xffff, v52  }
0x3c6: {  	[tilespmem:s7+$0x9440] =	vst.add.f32.msk $0xffff, v53  }
0x3c7: {  	[tilespmem:s7+$0x9450] =	vst.add.f32.msk $0xffff, v54  }
0x3c8: {  	[tilespmem:s7+$0x9460] =	vst.add.f32.msk $0xffff, v55  }
0x3c9: {  	[tilespmem:s7+$0x9470] =	vst.add.f32.msk $0xffff, v56  }
0x3ca: {  	[tilespmem:s7+$0x9480] =	vst.add.f32.msk $0xffff, v57  }
0x3cb: {  	[tilespmem:s7+$0x9490] =	vst.add.f32.msk $0xffff, v58  }
0x3cc: {  	[tilespmem:s7+$0x94A0] =	vst.add.f32.msk $0xffff, v59  }
0x3cd: {  	[tilespmem:s7+$0x94B0] =	vst.add.f32.msk $0xffff, v60  }
0x3ce: {  	[tilespmem:s7+$0x94C0] =	vst.add.f32.msk $0xffff, v61  }
0x3cf: {  	s8 =	simm.s32 $0x0;
	s0 =	simm.s32 $0x1000;
	[tilespmem:s7+$0x94D0] =	vst.add.f32.msk $0xffff, v62  }
.LBB2_9:
0x3d0: {  	s8 =	sadd.s32 $0x8, s8;
	[tilespmem:s7+$0x94E0] =	vst.add.f32.msk $0xffff, v0;
	s7 =	sshra.s32 s0, $0x2  }
0x3d1: {  	v0 =	vld [tilespmem:s7+$0xF8F0];
	p1 =	slt.u32 s8, $0x48  }
0x3d2: {  	v1 =	vld [tilespmem:s7+$0xF500]  }
0x3d3: {  	v2 =	vld [tilespmem:s7+$0xF510]  }
0x3d4: {  	v3 =	vld [tilespmem:s7+$0xF520]  }
0x3d5: {  	v4 =	vld [tilespmem:s7+$0xF530]  }
0x3d6: {  	[tilespmem:s7+$0x94F0] =	vst.add.f32.msk $0xffff, v0  }
0x3d7: {  	v5 =	vld [tilespmem:s7+$0xF540]  }
0x3d8: {  	v6 =	vld [tilespmem:s7+$0xF550]  }
0x3d9: {  	v7 =	vld [tilespmem:s7+$0xF560]  }
0x3da: {  	v8 =	vld [tilespmem:s7+$0xF570]  }
0x3db: {  	v9 =	vld [tilespmem:s7+$0xF580]  }
0x3dc: {  	v10 =	vld [tilespmem:s7+$0xF590]  }
0x3dd: {  	v11 =	vld [tilespmem:s7+$0xF5A0]  }
0x3de: {  	v12 =	vld [tilespmem:s7+$0xF5B0]  }
0x3df: {  	v13 =	vld [tilespmem:s7+$0xF5C0]  }
0x3e0: {  	v14 =	vld [tilespmem:s7+$0xF5D0]  }
0x3e1: {  	v15 =	vld [tilespmem:s7+$0xF5E0]  }
0x3e2: {  	v16 =	vld [tilespmem:s7+$0xF5F0]  }
0x3e3: {  	v17 =	vld [tilespmem:s7+$0xF600]  }
0x3e4: {  	v18 =	vld [tilespmem:s7+$0xF610]  }
0x3e5: {  	v19 =	vld [tilespmem:s7+$0xF620]  }
0x3e6: {  	v20 =	vld [tilespmem:s7+$0xF630]  }
0x3e7: {  	v21 =	vld [tilespmem:s7+$0xF640]  }
0x3e8: {  	v22 =	vld [tilespmem:s7+$0xF650]  }
0x3e9: {  	v23 =	vld [tilespmem:s7+$0xF660]  }
0x3ea: {  	v24 =	vld [tilespmem:s7+$0xF670]  }
0x3eb: {  	v25 =	vld [tilespmem:s7+$0xF680]  }
0x3ec: {  	v26 =	vld [tilespmem:s7+$0xF690]  }
0x3ed: {  	v27 =	vld [tilespmem:s7+$0xF6A0]  }
0x3ee: {  	v28 =	vld [tilespmem:s7+$0xF6B0]  }
0x3ef: {  	v29 =	vld [tilespmem:s7+$0xF6C0]  }
0x3f0: {  	v30 =	vld [tilespmem:s7+$0xF6D0]  }
0x3f1: {  	v31 =	vld [tilespmem:s7+$0xF6E0]  }
0x3f2: {  	v32 =	vld [tilespmem:s7+$0xF6F0]  }
0x3f3: {  	v33 =	vld [tilespmem:s7+$0xF700]  }
0x3f4: {  	v34 =	vld [tilespmem:s7+$0xF710]  }
0x3f5: {  	v35 =	vld [tilespmem:s7+$0xF720]  }
0x3f6: {  	v36 =	vld [tilespmem:s7+$0xF730]  }
0x3f7: {  	v37 =	vld [tilespmem:s7+$0xF740]  }
0x3f8: {  	v38 =	vld [tilespmem:s7+$0xF750]  }
0x3f9: {  	v39 =	vld [tilespmem:s7+$0xF760]  }
0x3fa: {  	v40 =	vld [tilespmem:s7+$0xF770]  }
0x3fb: {  	v41 =	vld [tilespmem:s7+$0xF780]  }
0x3fc: {  	v42 =	vld [tilespmem:s7+$0xF790]  }
0x3fd: {  	v43 =	vld [tilespmem:s7+$0xF7A0]  }
0x3fe: {  	v44 =	vld [tilespmem:s7+$0xF7B0]  }
0x3ff: {  	v45 =	vld [tilespmem:s7+$0xF7C0]  }
0x400: {  	v46 =	vld [tilespmem:s7+$0xF7D0]  }
0x401: {  	v47 =	vld [tilespmem:s7+$0xF7E0]  }
0x402: {  	v48 =	vld [tilespmem:s7+$0xF7F0]  }
0x403: {  	v49 =	vld [tilespmem:s7+$0xF800]  }
0x404: {  	v50 =	vld [tilespmem:s7+$0xF810]  }
0x405: {  	v51 =	vld [tilespmem:s7+$0xF820]  }
0x406: {  	v52 =	vld [tilespmem:s7+$0xF830]  }
0x407: {  	v53 =	vld [tilespmem:s7+$0xF840]  }
0x408: {  	v54 =	vld [tilespmem:s7+$0xF850]  }
0x409: {  	v55 =	vld [tilespmem:s7+$0xF860]  }
0x40a: {  	v56 =	vld [tilespmem:s7+$0xF870]  }
0x40b: {  	v57 =	vld [tilespmem:s7+$0xF880]  }
0x40c: {  	v58 =	vld [tilespmem:s7+$0xF890]  }
0x40d: {  	v59 =	vld [tilespmem:s7+$0xF8A0]  }
0x40e: {  	v60 =	vld [tilespmem:s7+$0xF8B0]  }
0x40f: {  	v61 =	vld [tilespmem:s7+$0xF8C0]  }
0x410: {  	v62 =	vld [tilespmem:s7+$0xF8D0]  }
0x411: {  	v0 =	vld [tilespmem:s7+$0xF8E0]  }
0x412: {  	[tilespmem:s7+$0x9100] =	vst.add.f32.msk $0xffff, v1  }
0x413: {  	[tilespmem:s7+$0x9110] =	vst.add.f32.msk $0xffff, v2  }
0x414: {  	[tilespmem:s7+$0x9120] =	vst.add.f32.msk $0xffff, v3  }
0x415: {  	[tilespmem:s7+$0x9130] =	vst.add.f32.msk $0xffff, v4  }
0x416: {  	[tilespmem:s7+$0x9140] =	vst.add.f32.msk $0xffff, v5  }
0x417: {  	[tilespmem:s7+$0x9150] =	vst.add.f32.msk $0xffff, v6  }
0x418: {  	[tilespmem:s7+$0x9160] =	vst.add.f32.msk $0xffff, v7  }
0x419: {  	[tilespmem:s7+$0x9170] =	vst.add.f32.msk $0xffff, v8  }
0x41a: {  	[tilespmem:s7+$0x9180] =	vst.add.f32.msk $0xffff, v9  }
0x41b: {  	[tilespmem:s7+$0x9190] =	vst.add.f32.msk $0xffff, v10  }
0x41c: {  	[tilespmem:s7+$0x91A0] =	vst.add.f32.msk $0xffff, v11  }
0x41d: {  	[tilespmem:s7+$0x91B0] =	vst.add.f32.msk $0xffff, v12  }
0x41e: {  	[tilespmem:s7+$0x91C0] =	vst.add.f32.msk $0xffff, v13  }
0x41f: {  	[tilespmem:s7+$0x91D0] =	vst.add.f32.msk $0xffff, v14  }
0x420: {  	[tilespmem:s7+$0x91E0] =	vst.add.f32.msk $0xffff, v15  }
0x421: {  	[tilespmem:s7+$0x91F0] =	vst.add.f32.msk $0xffff, v16  }
0x422: {  	[tilespmem:s7+$0x9200] =	vst.add.f32.msk $0xffff, v17  }
0x423: {  	[tilespmem:s7+$0x9210] =	vst.add.f32.msk $0xffff, v18  }
0x424: {  	[tilespmem:s7+$0x9220] =	vst.add.f32.msk $0xffff, v19  }
0x425: {  	[tilespmem:s7+$0x9230] =	vst.add.f32.msk $0xffff, v20  }
0x426: {  	[tilespmem:s7+$0x9240] =	vst.add.f32.msk $0xffff, v21  }
0x427: {  	[tilespmem:s7+$0x9250] =	vst.add.f32.msk $0xffff, v22  }
0x428: {  	[tilespmem:s7+$0x9260] =	vst.add.f32.msk $0xffff, v23  }
0x429: {  	[tilespmem:s7+$0x9270] =	vst.add.f32.msk $0xffff, v24  }
0x42a: {  	[tilespmem:s7+$0x9280] =	vst.add.f32.msk $0xffff, v25  }
0x42b: {  	[tilespmem:s7+$0x9290] =	vst.add.f32.msk $0xffff, v26  }
0x42c: {  	[tilespmem:s7+$0x92A0] =	vst.add.f32.msk $0xffff, v27  }
0x42d: {  	[tilespmem:s7+$0x92B0] =	vst.add.f32.msk $0xffff, v28  }
0x42e: {  	[tilespmem:s7+$0x92C0] =	vst.add.f32.msk $0xffff, v29  }
0x42f: {  	[tilespmem:s7+$0x92D0] =	vst.add.f32.msk $0xffff, v30  }
0x430: {  	[tilespmem:s7+$0x92E0] =	vst.add.f32.msk $0xffff, v31  }
0x431: {  	[tilespmem:s7+$0x92F0] =	vst.add.f32.msk $0xffff, v32  }
0x432: {  	[tilespmem:s7+$0x9300] =	vst.add.f32.msk $0xffff, v33  }
0x433: {  	[tilespmem:s7+$0x9310] =	vst.add.f32.msk $0xffff, v34  }
0x434: {  	[tilespmem:s7+$0x9320] =	vst.add.f32.msk $0xffff, v35  }
0x435: {  	[tilespmem:s7+$0x9330] =	vst.add.f32.msk $0xffff, v36  }
0x436: {  	[tilespmem:s7+$0x9340] =	vst.add.f32.msk $0xffff, v37  }
0x437: {  	[tilespmem:s7+$0x9350] =	vst.add.f32.msk $0xffff, v38  }
0x438: {  	[tilespmem:s7+$0x9360] =	vst.add.f32.msk $0xffff, v39  }
0x439: {  	[tilespmem:s7+$0x9370] =	vst.add.f32.msk $0xffff, v40  }
0x43a: {  	[tilespmem:s7+$0x9380] =	vst.add.f32.msk $0xffff, v41  }
0x43b: {  	[tilespmem:s7+$0x9390] =	vst.add.f32.msk $0xffff, v42  }
0x43c: {  	[tilespmem:s7+$0x93A0] =	vst.add.f32.msk $0xffff, v43  }
0x43d: {  	[tilespmem:s7+$0x93B0] =	vst.add.f32.msk $0xffff, v44  }
0x43e: {  	[tilespmem:s7+$0x93C0] =	vst.add.f32.msk $0xffff, v45  }
0x43f: {  	[tilespmem:s7+$0x93D0] =	vst.add.f32.msk $0xffff, v46  }
0x440: {  	[tilespmem:s7+$0x93E0] =	vst.add.f32.msk $0xffff, v47  }
0x441: {  	[tilespmem:s7+$0x93F0] =	vst.add.f32.msk $0xffff, v48  }
0x442: {  	[tilespmem:s7+$0x9400] =	vst.add.f32.msk $0xffff, v49  }
0x443: {  	[tilespmem:s7+$0x9410] =	vst.add.f32.msk $0xffff, v50  }
0x444: {  	[tilespmem:s7+$0x9420] =	vst.add.f32.msk $0xffff, v51  }
0x445: {  	[tilespmem:s7+$0x9430] =	vst.add.f32.msk $0xffff, v52  }
0x446: {  	[tilespmem:s7+$0x9440] =	vst.add.f32.msk $0xffff, v53  }
0x447: {  	[tilespmem:s7+$0x9450] =	vst.add.f32.msk $0xffff, v54  }
0x448: {  	[tilespmem:s7+$0x9460] =	vst.add.f32.msk $0xffff, v55  }
0x449: {  	[tilespmem:s7+$0x9470] =	vst.add.f32.msk $0xffff, v56  }
0x44a: {  	[tilespmem:s7+$0x9480] =	vst.add.f32.msk $0xffff, v57  }
.Ltmp5:
0x44b: {  	[tilespmem:s7+$0x9490] =	vst.add.f32.msk $0xffff, v58;
	(pc) =	sbr.rel @p1 .LBB2_9-.Ltmp5, $4  }
0x44c: {  	[tilespmem:s7+$0x94A0] =	vst.add.f32.msk $0xffff, v59  }
0x44d: {  	[tilespmem:s7+$0x94B0] =	vst.add.f32.msk $0xffff, v60  }
0x44e: {  	[tilespmem:s7+$0x94C0] =	vst.add.f32.msk $0xffff, v61  }
0x44f: {  	s0 =	sadd.s32 $0x1000, s0;
	[tilespmem:s7+$0x94D0] =	vst.add.f32.msk $0xffff, v62  }
0x450: {  	s0 =	sadd.s32 s11, s21  }
0x451: {  	s0 =	sshll.u32 s0, $0x4  }
0x452: {  	[tilespmem:s7+$0x94E0] =	vst.add.f32.msk $0xffff, v0;
	s0 =	sadd.s32 s4, s0  }
0x453: {  	[hbm4b:s0+s5] =	stream.linear.scatter [tilespmem:s19], [sflag:$0x9], $0x2800, $0x38;
	[tilespmem:$0x1A900] =	vst v63  }
0x454: {  	_ =	swait.ge [sflag:s30], $0x2800  }
0x455: {  	s7 =	simm.s32 @!p0 $0x6900;
	[sflag:s30] =	ssyncset.done $0x0  }
0x456: {  	s0 =	sadd.s32 @!p0 $0x230, s3;
	s3 =	simm.s32 @!p0 $0x50;
	[sflag:s30] =	ssyncadd.s32 $0xFFFFD800  }
0x457: {  	[tilespmem:s7], [sflag:$0x3] =	stream.indirect.gather @!p0 [hbm4b:s1+s3], $0x80, s0, s3, $0xb8;
	[tilespmem:$0x1A900] =	vst v63  }
0x458: {  	_ =	swait.ge [sflag:s31], $0x2800  }
0x459: {  	[sflag:s31] =	ssyncset.done $0x0  }
0x45a: {  	s3 =	simm.s32 $0x0;
	[sflag:s31] =	ssyncadd.s32 $0xFFFFD800  }
0x45b: {  	v0 =	vld [tilespmem:s3+$0x120F0]  }
0x45c: {  	v1 =	vld [tilespmem:s3+$0x11D00]  }
0x45d: {  	v2 =	vld [tilespmem:s3+$0x11D10]  }
0x45e: {  	v3 =	vld [tilespmem:s3+$0x11D20]  }
0x45f: {  	v4 =	vld [tilespmem:s3+$0x11D30]  }
0x460: {  	v5 =	vld [tilespmem:s3+$0x11D40]  }
0x461: {  	v6 =	vld [tilespmem:s3+$0x11D50]  }
0x462: {  	v7 =	vld [tilespmem:s3+$0x11D60]  }
0x463: {  	v8 =	vld [tilespmem:s3+$0x11D70]  }
0x464: {  	v9 =	vld [tilespmem:s3+$0x11D80]  }
0x465: {  	v10 =	vld [tilespmem:s3+$0x11D90]  }
0x466: {  	v11 =	vld [tilespmem:s3+$0x11DA0]  }
0x467: {  	v12 =	vld [tilespmem:s3+$0x11DB0]  }
0x468: {  	v13 =	vld [tilespmem:s3+$0x11DC0]  }
0x469: {  	v14 =	vld [tilespmem:s3+$0x11DD0]  }
0x46a: {  	v15 =	vld [tilespmem:s3+$0x11DE0]  }
0x46b: {  	v16 =	vld [tilespmem:s3+$0x11DF0]  }
0x46c: {  	v17 =	vld [tilespmem:s3+$0x11E00]  }
0x46d: {  	v18 =	vld [tilespmem:s3+$0x11E10]  }
0x46e: {  	v19 =	vld [tilespmem:s3+$0x11E20]  }
0x46f: {  	v20 =	vld [tilespmem:s3+$0x11E30]  }
0x470: {  	v21 =	vld [tilespmem:s3+$0x11E40]  }
0x471: {  	v22 =	vld [tilespmem:s3+$0x11E50]  }
0x472: {  	v23 =	vld [tilespmem:s3+$0x11E60]  }
0x473: {  	v24 =	vld [tilespmem:s3+$0x11E70]  }
0x474: {  	v25 =	vld [tilespmem:s3+$0x11E80]  }
0x475: {  	v26 =	vld [tilespmem:s3+$0x11E90]  }
0x476: {  	v27 =	vld [tilespmem:s3+$0x11EA0]  }
0x477: {  	v28 =	vld [tilespmem:s3+$0x11EB0]  }
0x478: {  	v29 =	vld [tilespmem:s3+$0x11EC0]  }
0x479: {  	v30 =	vld [tilespmem:s3+$0x11ED0]  }
0x47a: {  	v31 =	vld [tilespmem:s3+$0x11EE0]  }
0x47b: {  	v32 =	vld [tilespmem:s3+$0x11EF0]  }
0x47c: {  	v33 =	vld [tilespmem:s3+$0x11F00]  }
0x47d: {  	v34 =	vld [tilespmem:s3+$0x11F10]  }
0x47e: {  	v35 =	vld [tilespmem:s3+$0x11F20]  }
0x47f: {  	v36 =	vld [tilespmem:s3+$0x11F30]  }
0x480: {  	v37 =	vld [tilespmem:s3+$0x11F40]  }
0x481: {  	v38 =	vld [tilespmem:s3+$0x11F50]  }
0x482: {  	v39 =	vld [tilespmem:s3+$0x11F60]  }
0x483: {  	v40 =	vld [tilespmem:s3+$0x11F70]  }
0x484: {  	v41 =	vld [tilespmem:s3+$0x11F80]  }
0x485: {  	v42 =	vld [tilespmem:s3+$0x11F90]  }
0x486: {  	v43 =	vld [tilespmem:s3+$0x11FA0]  }
0x487: {  	v44 =	vld [tilespmem:s3+$0x11FB0]  }
0x488: {  	v45 =	vld [tilespmem:s3+$0x11FC0]  }
0x489: {  	v46 =	vld [tilespmem:s3+$0x11FD0]  }
0x48a: {  	v47 =	vld [tilespmem:s3+$0x11FE0]  }
0x48b: {  	v48 =	vld [tilespmem:s3+$0x11FF0]  }
0x48c: {  	v49 =	vld [tilespmem:s3+$0x12000]  }
0x48d: {  	v50 =	vld [tilespmem:s3+$0x12010]  }
0x48e: {  	v51 =	vld [tilespmem:s3+$0x12020]  }
0x48f: {  	v52 =	vld [tilespmem:s3+$0x12030]  }
0x490: {  	v53 =	vld [tilespmem:s3+$0x12040]  }
0x491: {  	v54 =	vld [tilespmem:s3+$0x12050]  }
0x492: {  	v55 =	vld [tilespmem:s3+$0x12060]  }
0x493: {  	v56 =	vld [tilespmem:s3+$0x12070]  }
0x494: {  	v57 =	vld [tilespmem:s3+$0x12080]  }
0x495: {  	v58 =	vld [tilespmem:s3+$0x12090]  }
0x496: {  	v59 =	vld [tilespmem:s3+$0x120A0]  }
0x497: {  	v60 =	vld [tilespmem:s3+$0x120B0]  }
0x498: {  	v61 =	vld [tilespmem:s3+$0x120C0]  }
0x499: {  	v62 =	vld [tilespmem:s3+$0x120D0]  }
0x49a: {  	[tilespmem:s3+$0xBCF0] =	vst.add.f32.msk $0xffff, v0  }
0x49b: {  	v0 =	vld [tilespmem:s3+$0x120E0]  }
0x49c: {  	[tilespmem:s3+$0xB900] =	vst.add.f32.msk $0xffff, v1  }
0x49d: {  	[tilespmem:s3+$0xB910] =	vst.add.f32.msk $0xffff, v2  }
0x49e: {  	[tilespmem:s3+$0xB920] =	vst.add.f32.msk $0xffff, v3  }
0x49f: {  	[tilespmem:s3+$0xB930] =	vst.add.f32.msk $0xffff, v4  }
0x4a0: {  	[tilespmem:s3+$0xB940] =	vst.add.f32.msk $0xffff, v5  }
0x4a1: {  	[tilespmem:s3+$0xB950] =	vst.add.f32.msk $0xffff, v6  }
0x4a2: {  	[tilespmem:s3+$0xB960] =	vst.add.f32.msk $0xffff, v7  }
0x4a3: {  	[tilespmem:s3+$0xB970] =	vst.add.f32.msk $0xffff, v8  }
0x4a4: {  	[tilespmem:s3+$0xB980] =	vst.add.f32.msk $0xffff, v9  }
0x4a5: {  	[tilespmem:s3+$0xB990] =	vst.add.f32.msk $0xffff, v10  }
0x4a6: {  	[tilespmem:s3+$0xB9A0] =	vst.add.f32.msk $0xffff, v11  }
0x4a7: {  	[tilespmem:s3+$0xB9B0] =	vst.add.f32.msk $0xffff, v12  }
0x4a8: {  	[tilespmem:s3+$0xB9C0] =	vst.add.f32.msk $0xffff, v13  }
0x4a9: {  	[tilespmem:s3+$0xB9D0] =	vst.add.f32.msk $0xffff, v14  }
0x4aa: {  	[tilespmem:s3+$0xB9E0] =	vst.add.f32.msk $0xffff, v15  }
0x4ab: {  	[tilespmem:s3+$0xB9F0] =	vst.add.f32.msk $0xffff, v16  }
0x4ac: {  	[tilespmem:s3+$0xBA00] =	vst.add.f32.msk $0xffff, v17  }
0x4ad: {  	[tilespmem:s3+$0xBA10] =	vst.add.f32.msk $0xffff, v18  }
0x4ae: {  	[tilespmem:s3+$0xBA20] =	vst.add.f32.msk $0xffff, v19  }
0x4af: {  	[tilespmem:s3+$0xBA30] =	vst.add.f32.msk $0xffff, v20  }
0x4b0: {  	[tilespmem:s3+$0xBA40] =	vst.add.f32.msk $0xffff, v21  }
0x4b1: {  	[tilespmem:s3+$0xBA50] =	vst.add.f32.msk $0xffff, v22  }
0x4b2: {  	[tilespmem:s3+$0xBA60] =	vst.add.f32.msk $0xffff, v23  }
0x4b3: {  	[tilespmem:s3+$0xBA70] =	vst.add.f32.msk $0xffff, v24  }
0x4b4: {  	[tilespmem:s3+$0xBA80] =	vst.add.f32.msk $0xffff, v25  }
0x4b5: {  	[tilespmem:s3+$0xBA90] =	vst.add.f32.msk $0xffff, v26  }
0x4b6: {  	[tilespmem:s3+$0xBAA0] =	vst.add.f32.msk $0xffff, v27  }
0x4b7: {  	[tilespmem:s3+$0xBAB0] =	vst.add.f32.msk $0xffff, v28  }
0x4b8: {  	[tilespmem:s3+$0xBAC0] =	vst.add.f32.msk $0xffff, v29  }
0x4b9: {  	[tilespmem:s3+$0xBAD0] =	vst.add.f32.msk $0xffff, v30  }
0x4ba: {  	[tilespmem:s3+$0xBAE0] =	vst.add.f32.msk $0xffff, v31  }
0x4bb: {  	[tilespmem:s3+$0xBAF0] =	vst.add.f32.msk $0xffff, v32  }
0x4bc: {  	[tilespmem:s3+$0xBB00] =	vst.add.f32.msk $0xffff, v33  }
0x4bd: {  	[tilespmem:s3+$0xBB10] =	vst.add.f32.msk $0xffff, v34  }
0x4be: {  	[tilespmem:s3+$0xBB20] =	vst.add.f32.msk $0xffff, v35  }
0x4bf: {  	[tilespmem:s3+$0xBB30] =	vst.add.f32.msk $0xffff, v36  }
0x4c0: {  	[tilespmem:s3+$0xBB40] =	vst.add.f32.msk $0xffff, v37  }
0x4c1: {  	[tilespmem:s3+$0xBB50] =	vst.add.f32.msk $0xffff, v38  }
0x4c2: {  	[tilespmem:s3+$0xBB60] =	vst.add.f32.msk $0xffff, v39  }
0x4c3: {  	[tilespmem:s3+$0xBB70] =	vst.add.f32.msk $0xffff, v40  }
0x4c4: {  	[tilespmem:s3+$0xBB80] =	vst.add.f32.msk $0xffff, v41  }
0x4c5: {  	[tilespmem:s3+$0xBB90] =	vst.add.f32.msk $0xffff, v42  }
0x4c6: {  	[tilespmem:s3+$0xBBA0] =	vst.add.f32.msk $0xffff, v43  }
0x4c7: {  	[tilespmem:s3+$0xBBB0] =	vst.add.f32.msk $0xffff, v44  }
0x4c8: {  	[tilespmem:s3+$0xBBC0] =	vst.add.f32.msk $0xffff, v45  }
0x4c9: {  	[tilespmem:s3+$0xBBD0] =	vst.add.f32.msk $0xffff, v46  }
0x4ca: {  	[tilespmem:s3+$0xBBE0] =	vst.add.f32.msk $0xffff, v47  }
0x4cb: {  	[tilespmem:s3+$0xBBF0] =	vst.add.f32.msk $0xffff, v48  }
0x4cc: {  	[tilespmem:s3+$0xBC00] =	vst.add.f32.msk $0xffff, v49  }
0x4cd: {  	[tilespmem:s3+$0xBC10] =	vst.add.f32.msk $0xffff, v50  }
0x4ce: {  	[tilespmem:s3+$0xBC20] =	vst.add.f32.msk $0xffff, v51  }
0x4cf: {  	[tilespmem:s3+$0xBC30] =	vst.add.f32.msk $0xffff, v52  }
0x4d0: {  	[tilespmem:s3+$0xBC40] =	vst.add.f32.msk $0xffff, v53  }
0x4d1: {  	[tilespmem:s3+$0xBC50] =	vst.add.f32.msk $0xffff, v54  }
0x4d2: {  	[tilespmem:s3+$0xBC60] =	vst.add.f32.msk $0xffff, v55  }
0x4d3: {  	[tilespmem:s3+$0xBC70] =	vst.add.f32.msk $0xffff, v56  }
0x4d4: {  	[tilespmem:s3+$0xBC80] =	vst.add.f32.msk $0xffff, v57  }
0x4d5: {  	[tilespmem:s3+$0xBC90] =	vst.add.f32.msk $0xffff, v58  }
0x4d6: {  	[tilespmem:s3+$0xBCA0] =	vst.add.f32.msk $0xffff, v59  }
0x4d7: {  	[tilespmem:s3+$0xBCB0] =	vst.add.f32.msk $0xffff, v60  }
0x4d8: {  	[tilespmem:s3+$0xBCC0] =	vst.add.f32.msk $0xffff, v61  }
0x4d9: {  	s8 =	simm.s32 $0x0;
	s7 =	smul.u32 $0x50, s20;
	s0 =	simm.s32 $0x1000;
	[tilespmem:s3+$0xBCD0] =	vst.add.f32.msk $0xffff, v62  }
.LBB2_11:
0x4da: {  	s8 =	sadd.s32 $0x8, s8;
	[tilespmem:s3+$0xBCE0] =	vst.add.f32.msk $0xffff, v0;
	s3 =	sshra.s32 s0, $0x2  }
0x4db: {  	v0 =	vld [tilespmem:s3+$0x120F0];
	p1 =	slt.u32 s8, $0x48  }
0x4dc: {  	v1 =	vld [tilespmem:s3+$0x11D00]  }
0x4dd: {  	v2 =	vld [tilespmem:s3+$0x11D10]  }
0x4de: {  	v3 =	vld [tilespmem:s3+$0x11D20]  }
0x4df: {  	v4 =	vld [tilespmem:s3+$0x11D30]  }
0x4e0: {  	[tilespmem:s3+$0xBCF0] =	vst.add.f32.msk $0xffff, v0  }
0x4e1: {  	v5 =	vld [tilespmem:s3+$0x11D40]  }
0x4e2: {  	v6 =	vld [tilespmem:s3+$0x11D50]  }
0x4e3: {  	v7 =	vld [tilespmem:s3+$0x11D60]  }
0x4e4: {  	v8 =	vld [tilespmem:s3+$0x11D70]  }
0x4e5: {  	v9 =	vld [tilespmem:s3+$0x11D80]  }
0x4e6: {  	v10 =	vld [tilespmem:s3+$0x11D90]  }
0x4e7: {  	v11 =	vld [tilespmem:s3+$0x11DA0]  }
0x4e8: {  	v12 =	vld [tilespmem:s3+$0x11DB0]  }
0x4e9: {  	v13 =	vld [tilespmem:s3+$0x11DC0]  }
0x4ea: {  	v14 =	vld [tilespmem:s3+$0x11DD0]  }
0x4eb: {  	v15 =	vld [tilespmem:s3+$0x11DE0]  }
0x4ec: {  	v16 =	vld [tilespmem:s3+$0x11DF0]  }
0x4ed: {  	v17 =	vld [tilespmem:s3+$0x11E00]  }
0x4ee: {  	v18 =	vld [tilespmem:s3+$0x11E10]  }
0x4ef: {  	v19 =	vld [tilespmem:s3+$0x11E20]  }
0x4f0: {  	v20 =	vld [tilespmem:s3+$0x11E30]  }
0x4f1: {  	v21 =	vld [tilespmem:s3+$0x11E40]  }
0x4f2: {  	v22 =	vld [tilespmem:s3+$0x11E50]  }
0x4f3: {  	v23 =	vld [tilespmem:s3+$0x11E60]  }
0x4f4: {  	v24 =	vld [tilespmem:s3+$0x11E70]  }
0x4f5: {  	v25 =	vld [tilespmem:s3+$0x11E80]  }
0x4f6: {  	v26 =	vld [tilespmem:s3+$0x11E90]  }
0x4f7: {  	v27 =	vld [tilespmem:s3+$0x11EA0]  }
0x4f8: {  	v28 =	vld [tilespmem:s3+$0x11EB0]  }
0x4f9: {  	v29 =	vld [tilespmem:s3+$0x11EC0]  }
0x4fa: {  	v30 =	vld [tilespmem:s3+$0x11ED0]  }
0x4fb: {  	v31 =	vld [tilespmem:s3+$0x11EE0]  }
0x4fc: {  	v32 =	vld [tilespmem:s3+$0x11EF0]  }
0x4fd: {  	v33 =	vld [tilespmem:s3+$0x11F00]  }
0x4fe: {  	v34 =	vld [tilespmem:s3+$0x11F10]  }
0x4ff: {  	v35 =	vld [tilespmem:s3+$0x11F20]  }
0x500: {  	v36 =	vld [tilespmem:s3+$0x11F30]  }
0x501: {  	v37 =	vld [tilespmem:s3+$0x11F40]  }
0x502: {  	v38 =	vld [tilespmem:s3+$0x11F50]  }
0x503: {  	v39 =	vld [tilespmem:s3+$0x11F60]  }
0x504: {  	v40 =	vld [tilespmem:s3+$0x11F70]  }
0x505: {  	v41 =	vld [tilespmem:s3+$0x11F80]  }
0x506: {  	v42 =	vld [tilespmem:s3+$0x11F90]  }
0x507: {  	v43 =	vld [tilespmem:s3+$0x11FA0]  }
0x508: {  	v44 =	vld [tilespmem:s3+$0x11FB0]  }
0x509: {  	v45 =	vld [tilespmem:s3+$0x11FC0]  }
0x50a: {  	v46 =	vld [tilespmem:s3+$0x11FD0]  }
0x50b: {  	v47 =	vld [tilespmem:s3+$0x11FE0]  }
0x50c: {  	v48 =	vld [tilespmem:s3+$0x11FF0]  }
0x50d: {  	v49 =	vld [tilespmem:s3+$0x12000]  }
0x50e: {  	v50 =	vld [tilespmem:s3+$0x12010]  }
0x50f: {  	v51 =	vld [tilespmem:s3+$0x12020]  }
0x510: {  	v52 =	vld [tilespmem:s3+$0x12030]  }
0x511: {  	v53 =	vld [tilespmem:s3+$0x12040]  }
0x512: {  	v54 =	vld [tilespmem:s3+$0x12050]  }
0x513: {  	v55 =	vld [tilespmem:s3+$0x12060]  }
0x514: {  	v56 =	vld [tilespmem:s3+$0x12070]  }
0x515: {  	v57 =	vld [tilespmem:s3+$0x12080]  }
0x516: {  	v58 =	vld [tilespmem:s3+$0x12090]  }
0x517: {  	v59 =	vld [tilespmem:s3+$0x120A0]  }
0x518: {  	v60 =	vld [tilespmem:s3+$0x120B0]  }
0x519: {  	v61 =	vld [tilespmem:s3+$0x120C0]  }
0x51a: {  	v62 =	vld [tilespmem:s3+$0x120D0]  }
0x51b: {  	v0 =	vld [tilespmem:s3+$0x120E0]  }
0x51c: {  	[tilespmem:s3+$0xB900] =	vst.add.f32.msk $0xffff, v1  }
0x51d: {  	[tilespmem:s3+$0xB910] =	vst.add.f32.msk $0xffff, v2  }
0x51e: {  	[tilespmem:s3+$0xB920] =	vst.add.f32.msk $0xffff, v3  }
0x51f: {  	[tilespmem:s3+$0xB930] =	vst.add.f32.msk $0xffff, v4  }
0x520: {  	[tilespmem:s3+$0xB940] =	vst.add.f32.msk $0xffff, v5  }
0x521: {  	[tilespmem:s3+$0xB950] =	vst.add.f32.msk $0xffff, v6  }
0x522: {  	[tilespmem:s3+$0xB960] =	vst.add.f32.msk $0xffff, v7  }
0x523: {  	[tilespmem:s3+$0xB970] =	vst.add.f32.msk $0xffff, v8  }
0x524: {  	[tilespmem:s3+$0xB980] =	vst.add.f32.msk $0xffff, v9  }
0x525: {  	[tilespmem:s3+$0xB990] =	vst.add.f32.msk $0xffff, v10  }
0x526: {  	[tilespmem:s3+$0xB9A0] =	vst.add.f32.msk $0xffff, v11  }
0x527: {  	[tilespmem:s3+$0xB9B0] =	vst.add.f32.msk $0xffff, v12  }
0x528: {  	[tilespmem:s3+$0xB9C0] =	vst.add.f32.msk $0xffff, v13  }
0x529: {  	[tilespmem:s3+$0xB9D0] =	vst.add.f32.msk $0xffff, v14  }
0x52a: {  	[tilespmem:s3+$0xB9E0] =	vst.add.f32.msk $0xffff, v15  }
0x52b: {  	[tilespmem:s3+$0xB9F0] =	vst.add.f32.msk $0xffff, v16  }
0x52c: {  	[tilespmem:s3+$0xBA00] =	vst.add.f32.msk $0xffff, v17  }
0x52d: {  	[tilespmem:s3+$0xBA10] =	vst.add.f32.msk $0xffff, v18  }
0x52e: {  	[tilespmem:s3+$0xBA20] =	vst.add.f32.msk $0xffff, v19  }
0x52f: {  	[tilespmem:s3+$0xBA30] =	vst.add.f32.msk $0xffff, v20  }
0x530: {  	[tilespmem:s3+$0xBA40] =	vst.add.f32.msk $0xffff, v21  }
0x531: {  	[tilespmem:s3+$0xBA50] =	vst.add.f32.msk $0xffff, v22  }
0x532: {  	[tilespmem:s3+$0xBA60] =	vst.add.f32.msk $0xffff, v23  }
0x533: {  	[tilespmem:s3+$0xBA70] =	vst.add.f32.msk $0xffff, v24  }
0x534: {  	[tilespmem:s3+$0xBA80] =	vst.add.f32.msk $0xffff, v25  }
0x535: {  	[tilespmem:s3+$0xBA90] =	vst.add.f32.msk $0xffff, v26  }
0x536: {  	[tilespmem:s3+$0xBAA0] =	vst.add.f32.msk $0xffff, v27  }
0x537: {  	[tilespmem:s3+$0xBAB0] =	vst.add.f32.msk $0xffff, v28  }
0x538: {  	[tilespmem:s3+$0xBAC0] =	vst.add.f32.msk $0xffff, v29  }
0x539: {  	[tilespmem:s3+$0xBAD0] =	vst.add.f32.msk $0xffff, v30  }
0x53a: {  	[tilespmem:s3+$0xBAE0] =	vst.add.f32.msk $0xffff, v31  }
0x53b: {  	[tilespmem:s3+$0xBAF0] =	vst.add.f32.msk $0xffff, v32  }
0x53c: {  	[tilespmem:s3+$0xBB00] =	vst.add.f32.msk $0xffff, v33  }
0x53d: {  	[tilespmem:s3+$0xBB10] =	vst.add.f32.msk $0xffff, v34  }
0x53e: {  	[tilespmem:s3+$0xBB20] =	vst.add.f32.msk $0xffff, v35  }
0x53f: {  	[tilespmem:s3+$0xBB30] =	vst.add.f32.msk $0xffff, v36  }
0x540: {  	[tilespmem:s3+$0xBB40] =	vst.add.f32.msk $0xffff, v37  }
0x541: {  	[tilespmem:s3+$0xBB50] =	vst.add.f32.msk $0xffff, v38  }
0x542: {  	[tilespmem:s3+$0xBB60] =	vst.add.f32.msk $0xffff, v39  }
0x543: {  	[tilespmem:s3+$0xBB70] =	vst.add.f32.msk $0xffff, v40  }
0x544: {  	[tilespmem:s3+$0xBB80] =	vst.add.f32.msk $0xffff, v41  }
0x545: {  	[tilespmem:s3+$0xBB90] =	vst.add.f32.msk $0xffff, v42  }
0x546: {  	[tilespmem:s3+$0xBBA0] =	vst.add.f32.msk $0xffff, v43  }
0x547: {  	[tilespmem:s3+$0xBBB0] =	vst.add.f32.msk $0xffff, v44  }
0x548: {  	[tilespmem:s3+$0xBBC0] =	vst.add.f32.msk $0xffff, v45  }
0x549: {  	[tilespmem:s3+$0xBBD0] =	vst.add.f32.msk $0xffff, v46  }
0x54a: {  	[tilespmem:s3+$0xBBE0] =	vst.add.f32.msk $0xffff, v47  }
0x54b: {  	[tilespmem:s3+$0xBBF0] =	vst.add.f32.msk $0xffff, v48  }
0x54c: {  	[tilespmem:s3+$0xBC00] =	vst.add.f32.msk $0xffff, v49  }
0x54d: {  	[tilespmem:s3+$0xBC10] =	vst.add.f32.msk $0xffff, v50  }
0x54e: {  	[tilespmem:s3+$0xBC20] =	vst.add.f32.msk $0xffff, v51  }
0x54f: {  	[tilespmem:s3+$0xBC30] =	vst.add.f32.msk $0xffff, v52  }
0x550: {  	[tilespmem:s3+$0xBC40] =	vst.add.f32.msk $0xffff, v53  }
0x551: {  	[tilespmem:s3+$0xBC50] =	vst.add.f32.msk $0xffff, v54  }
0x552: {  	[tilespmem:s3+$0xBC60] =	vst.add.f32.msk $0xffff, v55  }
0x553: {  	[tilespmem:s3+$0xBC70] =	vst.add.f32.msk $0xffff, v56  }
0x554: {  	[tilespmem:s3+$0xBC80] =	vst.add.f32.msk $0xffff, v57  }
.Ltmp6:
0x555: {  	[tilespmem:s3+$0xBC90] =	vst.add.f32.msk $0xffff, v58;
	(pc) =	sbr.rel @p1 .LBB2_11-.Ltmp6, $4  }
0x556: {  	[tilespmem:s3+$0xBCA0] =	vst.add.f32.msk $0xffff, v59  }
0x557: {  	[tilespmem:s3+$0xBCB0] =	vst.add.f32.msk $0xffff, v60  }
0x558: {  	[tilespmem:s3+$0xBCC0] =	vst.add.f32.msk $0xffff, v61  }
0x559: {  	s0 =	sadd.s32 $0x1000, s0;
	[tilespmem:s3+$0xBCD0] =	vst.add.f32.msk $0xffff, v62  }
0x55a: {  	s0 =	sadd.s32 s6, s7  }
0x55b: {  	s0 =	sshll.u32 s0, $0x4  }
.Ltmp7:
0x55c: {  	[tilespmem:s3+$0xBCE0] =	vst.add.f32.msk $0xffff, v0;
	s0 =	sadd.s32 s4, s0;
	(pc) =	sbr.rel @p0 .LBB2_14-.Ltmp7, $4  }
0x55d: {  	[hbm4b:s0+s5] =	stream.linear.scatter [tilespmem:s23], [sflag:$0xA], $0x2800, $0x38;
	[tilespmem:$0x1A900] =	vst v63  }
0x55e: {  	_ =	swait.ge [sflag:s2], $0x2800  }
0x55f: {  	[sflag:s2] =	ssyncset.done $0x0  }
0x560: {  	[sflag:s2] =	ssyncadd.s32 $0xFFFFD800  }
0x561: {  	s0 =	smul.u32 $0x640, s18  }
.Ltmp8:
0x562: {  	_ = 	snop;
	(pc) =	sbr.rel .LBB2_2-.Ltmp8, $4  }
0x563: {  	_ = 	snop  }
0x564: {  	s0 =	sshra.s32 s0, $0x2  }
0x565: {  	s18 =	sadd.s32 $0x1, s18;
	s0 =	sadd.s32 $0x280, s0  }
0x566: {  	[tilespmem:s19], [sflag:$0x4] =	stream.indirect.gather [hbm4b:s1+s13], $0x80, s0, s13, $0xb8;
	[tilespmem:$0x1A900] =	vst v63  }
.LBB2_15:
0x567: {  	_ =	sfence.sel $0x180000  }
0x568: {  	[bflag:$0x0] =	sbarrier.arrive $0xFFFF  }
0x569: {  	_ =	strace $0x90000047  }
0x56a: {  	s0 =	stileid.u32;
	[bflag:$0x2] =	sbarrier.arrive $0xFFFF  }
0x56b: {  	p0 =	sne.s32 s0, $0x0;
	s0 =	rddreg [dreg:$0x4]  }
0x56c: {  	s0 =	sadd.s32 @!p0 $0x100000, s0  }
0x56d: {  	[sflag:s0] =	ssyncadd.tile.s32 @!p0 $0x1;
	_ =	shalt  }
.Lfunc_end2:
_tile_overlayer_lowered:
.L_overlay_start_2:
0x56e: {  	(tag) =	ssettag $0x2  }
0x56f: {  	s0 =	rddreg [dreg:$0x0];
	s2 =	stileid.u32  }
0x570: {  	s1 =	rddreg [dreg:$0x1];
	p0 =	sne.s32 s2, $0x0  }
0x571: {  	s3 =	rddreg [dreg:$0x2];
	[bflag:$0x3] =	sbarrier.arrive $0xFFFF;
	s2 =	simm.s32 @!p0 $0x1C0B  }
0x572: {  	[timem:s3], [sflag:s2] =	dma.local @!p0 [hbm:s0], s1  }
0x573: {  	s0 =	simm.s32 @!p0 $0xB  }
0x574: {  	_ =	swait.ge @!p0 [sflag:s0], s1  }
0x575: {  	s1 =	ssub.s32 @!p0 $0x0, s1;
	[sflag:s0] =	ssyncset.done @!p0 $0x0  }
0x576: {  	[sflag:s0] =	ssyncadd.s32 @!p0 s1  }
0x577: {  	[bflag:$0x3] =	sbarrier.arrive $0xFFFF  }
0x578: {  	_ =	shalt  }

</sc_bundles>
